<compile_context>
chip_gen: v7x
topology: tpu7x:2x2x1
jax: 0.10.2.dev20260603
libtpu: 0.0.44.dev20260713+nightly
codegen_flags: <defaults>
</compile_context>

<pallas_src>
import functools

import jax
import jax.numpy as jnp
from jax import lax
from jax.experimental import pallas as pl
from jax.experimental.pallas import tpu as pltpu
from jax.experimental.pallas import tpu_sc as plsc

INPUT_DIM = 12288
OUT_DIM = 16
NBITS = 12
N_NODES = INPUT_DIM // NBITS
N_ENTRIES = 2 ** NBITS
BATCH = 4096
LANES = 16
KEY_BLOCKS = N_NODES // LANES
IDX_MINOR = 128
N_CHUNKS = N_NODES // IDX_MINOR
GROUP = 8
XCOLS = INPUT_DIM // 128
XG_ROWS = XCOLS * GROUP
RED_UNROLL = 8


def _make_kernel(num_workers):
  rows_per_w = BATCH // num_workers
  groups_per_w = rows_per_w // GROUP
  chunks_per_group = GROUP * N_CHUNKS
  mesh = plsc.VectorSubcoreMesh(core_axis_name="c", subcore_axis_name="s")
  num_cores = mesh.num_cores

  @functools.partial(
      pl.kernel,
      out_type=jax.ShapeDtypeStruct((BATCH * OUT_DIM // 128, 128), jnp.float32),
      mesh=mesh,
      scratch_types=[
          pltpu.VMEM((INPUT_DIM,), jnp.int32),
          pltpu.VMEM((XG_ROWS, 128), jnp.int32),
          pltpu.VMEM((chunks_per_group, IDX_MINOR), jnp.int32),
          pltpu.VMEM((4, IDX_MINOR, OUT_DIM), jnp.float32),
          pltpu.VMEM((groups_per_w, 128), jnp.float32),
          pltpu.SemaphoreType.DMA,
          pltpu.SemaphoreType.DMA,
          pltpu.SemaphoreType.DMA,
          pltpu.SemaphoreType.DMA,
          pltpu.SemaphoreType.DMA,
      ],
      compiler_params=pltpu.CompilerParams(
          needs_layout_passes=False, use_tc_tiling_on_sc=False),
  )
  def k(x_hbm, perm_hbm, mem_hbm, out_hbm, perm_v, xg_v, gidx_v, rows_v,
        out_v, sem_x, sem_g0, sem_g1, sem_g2, sem_g3):
    sem_g = (sem_g0, sem_g1, sem_g2, sem_g3)
    wid = lax.axis_index("s") * num_cores + lax.axis_index("c")
    gbase = wid * groups_per_w
    pltpu.sync_copy(perm_hbm, perm_v)
    lane = lax.broadcasted_iota(jnp.int32, (LANES,), 0)
    node_off = lane * N_ENTRIES

    def issue_xg(g):
      grp = jnp.minimum(gbase + g, BATCH // GROUP - 1)
      pltpu.async_copy(x_hbm.at[pl.ds(grp * XG_ROWS, XG_ROWS)], xg_v, sem_x)

    def wait_xg(g):
      grp = jnp.minimum(gbase + g, BATCH // GROUP - 1)
      pltpu.make_async_copy(x_hbm.at[pl.ds(grp * XG_ROWS, XG_ROWS)], xg_v,
                            sem_x).wait()

    def compute_keys_group():

      def key_body(nb, _):
        packed = [perm_v[pl.ds(j * N_NODES + nb * LANES, LANES)]
                  for j in range(NBITS)]
        hi = [p >> 16 for p in packed]
        lo = [p & 0xFFFF for p in packed]
        for r in range(GROUP):
          key = jnp.zeros((LANES,), jnp.int32)
          for j in range(NBITS):
            bits = plsc.load_gather(xg_v, [hi[j] + r, lo[j]])
            key = key | (bits << j)
          gid = key + node_off + nb * (LANES * N_ENTRIES)
          gidx_v[r * N_CHUNKS + (nb >> 3), pl.ds((nb & 7) * LANES, LANES)] = gid
        return _

      lax.fori_loop(0, KEY_BLOCKS, key_body, 0, unroll=False)

    def fire_chunk(c, s):
      pltpu.async_copy(mem_hbm.at[gidx_v.at[c]], rows_v.at[s], sem_g[s])

    def drain_chunk(c, s):
      pltpu.make_async_copy(mem_hbm.at[gidx_v.at[c]], rows_v.at[s],
                            sem_g[s]).wait()

    def reduce_chunk(g, c, s):
      def red_body(r, accs):
        a0, a1, a2, a3 = accs
        for u in range(RED_UNROLL):
          v = rows_v[s, r * RED_UNROLL + u]
          if u % 4 == 0:
            a0 = a0 + v
          elif u % 4 == 1:
            a1 = a1 + v
          elif u % 4 == 2:
            a2 = a2 + v
          else:
            a3 = a3 + v
        return (a0, a1, a2, a3)

      z = jnp.zeros((LANES,), jnp.float32)
      a0, a1, a2, a3 = lax.fori_loop(0, IDX_MINOR // RED_UNROLL, red_body,
                                     (z, z, z, z), unroll=False)
      part = (a0 + a1) + (a2 + a3)
      plsc.addupdate(out_v.at[g, pl.ds((c >> 3) * OUT_DIM, OUT_DIM)], part)

    def group_body(g, _):
      wait_xg(g)
      compute_keys_group()

      @pl.when(g + 1 < groups_per_w)
      def _prefetch():
        issue_xg(g + 1)

      for u in range(128 // LANES):
        out_v[g, pl.ds(u * LANES, LANES)] = jnp.zeros((LANES,), jnp.float32)

      for s0 in range(3):
        fire_chunk(s0, s0)

      def chunk_body(kk, _):
        for s in (0, 1, 2, 3):
          c = 4 * kk + s

          @pl.when(c + 3 < chunks_per_group)
          def _fire():
            fire_chunk(c + 3, (s + 3) % 4)

          drain_chunk(c, s)
          reduce_chunk(g, c, s)
        return _

      lax.fori_loop(0, chunks_per_group // 4, chunk_body, 0, unroll=False)

      scale = jnp.float32(1.0 / NBITS)
      for u in range(128 // LANES):
        sl = pl.ds(u * LANES, LANES)
        out_v[g, sl] = out_v[g, sl] * scale
      return _

    issue_xg(0)
    lax.fori_loop(0, groups_per_w, group_body, 0, unroll=False)
    pltpu.sync_copy(out_v,
                    out_hbm.at[pl.ds(wid * groups_per_w, groups_per_w)])

  return k


def kernel(x, mapping, mem):
  m = mapping.reshape(N_NODES, NBITS).T.astype(jnp.int32)
  perm = (((m // 128) * GROUP) << 16) | (m % 128)
  perm = perm.reshape(-1)

  x4 = x.reshape(BATCH // GROUP, GROUP, XCOLS, 128)
  xt = x4.transpose(0, 2, 1, 3).reshape(BATCH * INPUT_DIM // 128, 128)

  mem2 = mem.reshape(N_NODES * N_ENTRIES, OUT_DIM)

  info = plsc.get_sparse_core_info()
  nw = info.num_cores * info.num_subcores
  k = _make_kernel(nw)
  out2 = k(xt, perm, mem2)
  return out2.reshape(BATCH, OUT_DIM)

# --- scband reference (transcript-rebuilt; emitter-appended) ---
"""Pipeline reference for scband-functional-discriminator-65386582114541 (READ-ONLY COPY).

The authoritative reference and input builder live on the scoring server;
editing this copy changes nothing except your own understanding.
"""

import jax, jax.numpy as jnp
import numpy as np

INPUT_DIM = 12288
OUTPUT_DIM = 16
N = 12
N_NODES = INPUT_DIM // N  # 1024 RAM nodes (ceil(input_dim/n))
N_ENTRIES = 2 ** N        # 4096 addressable entries per node (dense dict)
BATCH = 4096


def setup_inputs(seed: int = 0) -> dict:
    key = jax.random.key(seed)
    k1, k2, k3 = jax.random.split(key, 3)
    # binary input pattern, as in WiSARD-style discriminators
    x = jax.random.randint(k1, (BATCH, INPUT_DIM), 0, 2, dtype=jnp.int32)
    # self.mapping = torch.randperm(input_dim)
    mapping = jax.random.permutation(k2, INPUT_DIM).astype(jnp.int32)
    # dense materialization of the per-node dicts: mem[node, key] -> response vector
    # (torch version lazily creates zeros entries; dense table is the faithful
    #  fully-populated equivalent; small random values stand in for trained content)
    mem = jax.random.normal(k3, (N_NODES, N_ENTRIES, OUTPUT_DIM), dtype=jnp.float32) * 0.01
    return {"x": x, "mapping": mapping, "mem": mem}


def reference(x, mapping, mem):
    xb = jnp.atleast_2d(x)
    B = xb.shape[0]
    # x[self.mapping]
    xp = jnp.take(xb, mapping, axis=1)
    # torch.tensor_split(..., n_nodes) -> equal n-bit tuples (input_dim divisible by n)
    tuples = xp.reshape(B, N_NODES, N)
    # bitarray_to_word: interpret each n-bit tuple as an integer key
    powers = (2 ** jnp.arange(N, dtype=jnp.int32))
    keys = jnp.sum(tuples * powers[None, None, :], axis=-1).astype(jnp.int32)  # [B, N_NODES]
    # node.get(key, zeros) -> gather from dense per-node memory
    node_idx = jnp.arange(N_NODES, dtype=jnp.int32)
    vals = mem[node_idx[None, :], keys]  # [B, N_NODES, OUTPUT_DIM]
    # response += param for every node, then / n
    out = jnp.sum(vals, axis=1) / N  # [B, OUTPUT_DIM]
    return jnp.squeeze(out)

if __name__ == "__main__":
    import jax
    _d = setup_inputs()
    print(jax.jit(kernel)(*tuple(_d.values())))

</pallas_src>

<mosaic_0001>
#map = affine_map<(d0, d1) -> (0, 0)>
#map1 = affine_map<(d0, d1) -> (0)>
module attributes {stable_mosaic.version = 14 : i64} {
  func.func @k(%arg0: i32, %arg1: i32, %arg2: memref<393216x128xi32, #tpu.memory_space<hbm>>, %arg3: memref<12288xi32, #tpu.memory_space<hbm>>, %arg4: memref<4194304x16xf32, #tpu.memory_space<hbm>>, %arg5: memref<512x128xf32, #tpu.memory_space<hbm>>, %arg6: memref<12288xi32, #tpu.memory_space<vmem>>, %arg7: memref<768x128xi32, #tpu.memory_space<vmem>>, %arg8: memref<64x128xi32, #tpu.memory_space<vmem>>, %arg9: memref<4x128x16xf32, #tpu.memory_space<vmem>>, %arg10: memref<16x128xf32, #tpu.memory_space<vmem>>, %arg11: memref<!tpu.dma_semaphore, #tpu.memory_space<semaphore_mem>>, %arg12: memref<!tpu.dma_semaphore, #tpu.memory_space<semaphore_mem>>, %arg13: memref<!tpu.dma_semaphore, #tpu.memory_space<semaphore_mem>>, %arg14: memref<!tpu.dma_semaphore, #tpu.memory_space<semaphore_mem>>, %arg15: memref<!tpu.dma_semaphore, #tpu.memory_space<semaphore_mem>>) attributes {dimension_semantics = [#tpu.dimension_semantics<core_parallel>, #tpu.dimension_semantics<subcore_parallel>], iteration_bounds = array<i64: 2, 16>, scalar_prefetch = 0 : i64, scratch_operands = 10 : i64, tpu.core_type = #tpu.core_type<sc_vector_subcore>, window_params = [{transform_indices = #map}, {transform_indices = #map1}, {transform_indices = #map}, {transform_indices = #map}]} {
    %mul3A = arith.constant 2 : i32
    %mul3A_0 = arith.muli %arg1, %mul3A : i32
    %add3A = arith.addi %mul3A_0, %arg0 : i32
    %mul3A_1 = arith.constant 16 : i32
    %mul3A_2 = arith.muli %add3A, %mul3A_1 : i32
    "tpu.region"() ({
      %run_scoped3A = tpu.sem_alloc : memref<!tpu.dma_semaphore, #tpu.memory_space<semaphore_mem>>
      tpu.enqueue_dma source(%arg3 : memref<12288xi32, #tpu.memory_space<hbm>>) target(%arg6 : memref<12288xi32, #tpu.memory_space<vmem>>) target_semaphore(%run_scoped3A : memref<!tpu.dma_semaphore, #tpu.memory_space<semaphore_mem>>)
      tpu.wait_dma2 semaphore(%run_scoped3A : memref<!tpu.dma_semaphore, #tpu.memory_space<semaphore_mem>>) src(%arg3 : memref<12288xi32, #tpu.memory_space<hbm>>) dst(%arg6 : memref<12288xi32, #tpu.memory_space<vmem>>)
      tpu.yield
    }) : () -> ()
    %iota3A = tpu.iota {dimensions = array<i32: 0>} : vector<16xi32>
    %mul3A_3 = arith.constant 4096 : i32
    %mul3A_4 = vector.broadcast %mul3A_3 : i32 to vector<16xi32>
    %mul3A_5 = arith.muli %iota3A, %mul3A_4 : vector<16xi32>
    %add3A_6 = arith.constant 0 : i32
    %add3A_7 = arith.addi %mul3A_2, %add3A_6 : i32
    %min3A = arith.constant 511 : i32
    %min3A_8 = arith.minsi %add3A_7, %min3A : i32
    %mul3A_9 = arith.constant 768 : i32
    %mul3A_10 = arith.muli %min3A_8, %mul3A_9 : i32
    %dma_start3A = arith.constant 0 : i32
    %dma_start3A_11 = tpu.memref_slice %arg2[%mul3A_10, %dma_start3A] : memref<393216x128xi32, #tpu.memory_space<hbm>> -> memref<768x128xi32, #tpu.memory_space<hbm>>
    %dma_start3A_12 = arith.constant 0 : i32
    %dma_start3A_13 = tpu.memref_slice %arg2[%mul3A_10, %dma_start3A_12] : memref<393216x128xi32, #tpu.memory_space<hbm>> -> memref<768x128xi32, #tpu.memory_space<hbm>>
    tpu.enqueue_dma source(%dma_start3A_13 : memref<768x128xi32, #tpu.memory_space<hbm>>) target(%arg7 : memref<768x128xi32, #tpu.memory_space<vmem>>) target_semaphore(%arg11 : memref<!tpu.dma_semaphore, #tpu.memory_space<semaphore_mem>>)
    %scan3A = arith.constant 0 : i32
    %scan3A_14 = arith.constant 0 : i32
    %scan3A_15 = arith.constant 16 : i32
    %scan3A_16 = arith.addi %scan3A_14, %scan3A_15 : i32
    %scan3A_17 = arith.constant 1 : i32
    scf.for %scan3A_21 = %scan3A_14 to %scan3A_16 step %scan3A_17  : i32 {
      %add3A_22 = arith.addi %mul3A_2, %scan3A_21 : i32
      %min3A_23 = arith.constant 511 : i32
      %min3A_24 = arith.minsi %add3A_22, %min3A_23 : i32
      %mul3A_25 = arith.constant 768 : i32
      %mul3A_26 = arith.muli %min3A_24, %mul3A_25 : i32
      %dma_wait3A = arith.constant 0 : i32
      %dma_wait3A_27 = tpu.memref_slice %arg2[%mul3A_26, %dma_wait3A] : memref<393216x128xi32, #tpu.memory_space<hbm>> -> memref<768x128xi32, #tpu.memory_space<hbm>>
      %dma_wait3A_28 = arith.constant 0 : i32
      %dma_wait3A_29 = tpu.memref_slice %arg2[%mul3A_26, %dma_wait3A_28] : memref<393216x128xi32, #tpu.memory_space<hbm>> -> memref<768x128xi32, #tpu.memory_space<hbm>>
      tpu.wait_dma2 semaphore(%arg11 : memref<!tpu.dma_semaphore, #tpu.memory_space<semaphore_mem>>) src(%dma_wait3A_29 : memref<768x128xi32, #tpu.memory_space<hbm>>) dst(%arg7 : memref<768x128xi32, #tpu.memory_space<vmem>>)
      %scan3A_30 = arith.constant 0 : i32
      %scan3A_31 = arith.constant 0 : i32
      %scan3A_32 = arith.constant 64 : i32
      %scan3A_33 = arith.addi %scan3A_31, %scan3A_32 : i32
      %scan3A_34 = arith.constant 1 : i32
      scf.for %scan3A_191 = %scan3A_31 to %scan3A_33 step %scan3A_34  : i32 {
        %mul3A_192 = arith.constant 16 : i32
        %mul3A_193 = arith.muli %scan3A_191, %mul3A_192 : i32
        %add3A_194 = arith.constant 0 : i32
        %add3A_195 = arith.addi %add3A_194, %mul3A_193 : i32
        %get3A_196 = arith.index_cast %add3A_195 : i32 to index
        %get3A_197 = tpu.vector_load %arg6[%get3A_196] {strides = array<i32>} : memref<12288xi32, #tpu.memory_space<vmem>>, vector<16xi32>,
        %mul3A_198 = arith.constant 16 : i32
        %mul3A_199 = arith.muli %scan3A_191, %mul3A_198 : i32
        %add3A_200 = arith.constant 1024 : i32
        %add3A_201 = arith.addi %add3A_200, %mul3A_199 : i32
        %get3A_202 = arith.index_cast %add3A_201 : i32 to index
        %get3A_203 = tpu.vector_load %arg6[%get3A_202] {strides = array<i32>} : memref<12288xi32, #tpu.memory_space<vmem>>, vector<16xi32>,
        %mul3A_204 = arith.constant 16 : i32
        %mul3A_205 = arith.muli %scan3A_191, %mul3A_204 : i32
        %add3A_206 = arith.constant 2048 : i32
        %add3A_207 = arith.addi %add3A_206, %mul3A_205 : i32
        %get3A_208 = arith.index_cast %add3A_207 : i32 to index
        %get3A_209 = tpu.vector_load %arg6[%get3A_208] {strides = array<i32>} : memref<12288xi32, #tpu.memory_space<vmem>>, vector<16xi32>,
        %mul3A_210 = arith.constant 16 : i32
        %mul3A_211 = arith.muli %scan3A_191, %mul3A_210 : i32
        %add3A_212 = arith.constant 3072 : i32
        %add3A_213 = arith.addi %add3A_212, %mul3A_211 : i32
        %get3A_214 = arith.index_cast %add3A_213 : i32 to index
        %get3A_215 = tpu.vector_load %arg6[%get3A_214] {strides = array<i32>} : memref<12288xi32, #tpu.memory_space<vmem>>, vector<16xi32>,
        %mul3A_216 = arith.constant 16 : i32
        %mul3A_217 = arith.muli %scan3A_191, %mul3A_216 : i32
        %add3A_218 = arith.constant 4096 : i32
        %add3A_219 = arith.addi %add3A_218, %mul3A_217 : i32
        %get3A_220 = arith.index_cast %add3A_219 : i32 to index
        %get3A_221 = tpu.vector_load %arg6[%get3A_220] {strides = array<i32>} : memref<12288xi32, #tpu.memory_space<vmem>>, vector<16xi32>,
        %mul3A_222 = arith.constant 16 : i32
        %mul3A_223 = arith.muli %scan3A_191, %mul3A_222 : i32
        %add3A_224 = arith.constant 5120 : i32
        %add3A_225 = arith.addi %add3A_224, %mul3A_223 : i32
        %get3A_226 = arith.index_cast %add3A_225 : i32 to index
        %get3A_227 = tpu.vector_load %arg6[%get3A_226] {strides = array<i32>} : memref<12288xi32, #tpu.memory_space<vmem>>, vector<16xi32>,
        %mul3A_228 = arith.constant 16 : i32
        %mul3A_229 = arith.muli %scan3A_191, %mul3A_228 : i32
        %add3A_230 = arith.constant 6144 : i32
        %add3A_231 = arith.addi %add3A_230, %mul3A_229 : i32
        %get3A_232 = arith.index_cast %add3A_231 : i32 to index
        %get3A_233 = tpu.vector_load %arg6[%get3A_232] {strides = array<i32>} : memref<12288xi32, #tpu.memory_space<vmem>>, vector<16xi32>,
        %mul3A_234 = arith.constant 16 : i32
        %mul3A_235 = arith.muli %scan3A_191, %mul3A_234 : i32
        %add3A_236 = arith.constant 7168 : i32
        %add3A_237 = arith.addi %add3A_236, %mul3A_235 : i32
        %get3A_238 = arith.index_cast %add3A_237 : i32 to index
        %get3A_239 = tpu.vector_load %arg6[%get3A_238] {strides = array<i32>} : memref<12288xi32, #tpu.memory_space<vmem>>, vector<16xi32>,
        %mul3A_240 = arith.constant 16 : i32
        %mul3A_241 = arith.muli %scan3A_191, %mul3A_240 : i32
        %add3A_242 = arith.constant 8192 : i32
        %add3A_243 = arith.addi %add3A_242, %mul3A_241 : i32
        %get3A_244 = arith.index_cast %add3A_243 : i32 to index
        %get3A_245 = tpu.vector_load %arg6[%get3A_244] {strides = array<i32>} : memref<12288xi32, #tpu.memory_space<vmem>>, vector<16xi32>,
        %mul3A_246 = arith.constant 16 : i32
        %mul3A_247 = arith.muli %scan3A_191, %mul3A_246 : i32
        %add3A_248 = arith.constant 9216 : i32
        %add3A_249 = arith.addi %add3A_248, %mul3A_247 : i32
        %get3A_250 = arith.index_cast %add3A_249 : i32 to index
        %get3A_251 = tpu.vector_load %arg6[%get3A_250] {strides = array<i32>} : memref<12288xi32, #tpu.memory_space<vmem>>, vector<16xi32>,
        %mul3A_252 = arith.constant 16 : i32
        %mul3A_253 = arith.muli %scan3A_191, %mul3A_252 : i32
        %add3A_254 = arith.constant 10240 : i32
        %add3A_255 = arith.addi %add3A_254, %mul3A_253 : i32
        %get3A_256 = arith.index_cast %add3A_255 : i32 to index
        %get3A_257 = tpu.vector_load %arg6[%get3A_256] {strides = array<i32>} : memref<12288xi32, #tpu.memory_space<vmem>>, vector<16xi32>,
        %mul3A_258 = arith.constant 16 : i32
        %mul3A_259 = arith.muli %scan3A_191, %mul3A_258 : i32
        %add3A_260 = arith.constant 11264 : i32
        %add3A_261 = arith.addi %add3A_260, %mul3A_259 : i32
        %get3A_262 = arith.index_cast %add3A_261 : i32 to index
        %get3A_263 = tpu.vector_load %arg6[%get3A_262] {strides = array<i32>} : memref<12288xi32, #tpu.memory_space<vmem>>, vector<16xi32>,
        %shift_right_arithmetic3A = arith.constant 16 : i32
        %shift_right_arithmetic3A_264 = vector.broadcast %shift_right_arithmetic3A : i32 to vector<16xi32>
        %shift_right_arithmetic3A_265 = arith.shrsi %get3A_197, %shift_right_arithmetic3A_264 : vector<16xi32>
        %shift_right_arithmetic3A_266 = arith.constant 16 : i32
        %shift_right_arithmetic3A_267 = vector.broadcast %shift_right_arithmetic3A_266 : i32 to vector<16xi32>
        %shift_right_arithmetic3A_268 = arith.shrsi %get3A_203, %shift_right_arithmetic3A_267 : vector<16xi32>
        %shift_right_arithmetic3A_269 = arith.constant 16 : i32
        %shift_right_arithmetic3A_270 = vector.broadcast %shift_right_arithmetic3A_269 : i32 to vector<16xi32>
        %shift_right_arithmetic3A_271 = arith.shrsi %get3A_209, %shift_right_arithmetic3A_270 : vector<16xi32>
        %shift_right_arithmetic3A_272 = arith.constant 16 : i32
        %shift_right_arithmetic3A_273 = vector.broadcast %shift_right_arithmetic3A_272 : i32 to vector<16xi32>
        %shift_right_arithmetic3A_274 = arith.shrsi %get3A_215, %shift_right_arithmetic3A_273 : vector<16xi32>
        %shift_right_arithmetic3A_275 = arith.constant 16 : i32
        %shift_right_arithmetic3A_276 = vector.broadcast %shift_right_arithmetic3A_275 : i32 to vector<16xi32>
        %shift_right_arithmetic3A_277 = arith.shrsi %get3A_221, %shift_right_arithmetic3A_276 : vector<16xi32>
        %shift_right_arithmetic3A_278 = arith.constant 16 : i32
        %shift_right_arithmetic3A_279 = vector.broadcast %shift_right_arithmetic3A_278 : i32 to vector<16xi32>
        %shift_right_arithmetic3A_280 = arith.shrsi %get3A_227, %shift_right_arithmetic3A_279 : vector<16xi32>
        %shift_right_arithmetic3A_281 = arith.constant 16 : i32
        %shift_right_arithmetic3A_282 = vector.broadcast %shift_right_arithmetic3A_281 : i32 to vector<16xi32>
        %shift_right_arithmetic3A_283 = arith.shrsi %get3A_233, %shift_right_arithmetic3A_282 : vector<16xi32>
        %shift_right_arithmetic3A_284 = arith.constant 16 : i32
        %shift_right_arithmetic3A_285 = vector.broadcast %shift_right_arithmetic3A_284 : i32 to vector<16xi32>
        %shift_right_arithmetic3A_286 = arith.shrsi %get3A_239, %shift_right_arithmetic3A_285 : vector<16xi32>
        %shift_right_arithmetic3A_287 = arith.constant 16 : i32
        %shift_right_arithmetic3A_288 = vector.broadcast %shift_right_arithmetic3A_287 : i32 to vector<16xi32>
        %shift_right_arithmetic3A_289 = arith.shrsi %get3A_245, %shift_right_arithmetic3A_288 : vector<16xi32>
        %shift_right_arithmetic3A_290 = arith.constant 16 : i32
        %shift_right_arithmetic3A_291 = vector.broadcast %shift_right_arithmetic3A_290 : i32 to vector<16xi32>
        %shift_right_arithmetic3A_292 = arith.shrsi %get3A_251, %shift_right_arithmetic3A_291 : vector<16xi32>
        %shift_right_arithmetic3A_293 = arith.constant 16 : i32
        %shift_right_arithmetic3A_294 = vector.broadcast %shift_right_arithmetic3A_293 : i32 to vector<16xi32>
        %shift_right_arithmetic3A_295 = arith.shrsi %get3A_257, %shift_right_arithmetic3A_294 : vector<16xi32>
        %shift_right_arithmetic3A_296 = arith.constant 16 : i32
        %shift_right_arithmetic3A_297 = vector.broadcast %shift_right_arithmetic3A_296 : i32 to vector<16xi32>
        %shift_right_arithmetic3A_298 = arith.shrsi %get3A_263, %shift_right_arithmetic3A_297 : vector<16xi32>
        %and3A = arith.constant 65535 : i32
        %and3A_299 = vector.broadcast %and3A : i32 to vector<16xi32>
        %and3A_300 = arith.andi %get3A_197, %and3A_299 : vector<16xi32>
        %and3A_301 = arith.constant 65535 : i32
        %and3A_302 = vector.broadcast %and3A_301 : i32 to vector<16xi32>
        %and3A_303 = arith.andi %get3A_203, %and3A_302 : vector<16xi32>
        %and3A_304 = arith.constant 65535 : i32
        %and3A_305 = vector.broadcast %and3A_304 : i32 to vector<16xi32>
        %and3A_306 = arith.andi %get3A_209, %and3A_305 : vector<16xi32>
        %and3A_307 = arith.constant 65535 : i32
        %and3A_308 = vector.broadcast %and3A_307 : i32 to vector<16xi32>
        %and3A_309 = arith.andi %get3A_215, %and3A_308 : vector<16xi32>
        %and3A_310 = arith.constant 65535 : i32
        %and3A_311 = vector.broadcast %and3A_310 : i32 to vector<16xi32>
        %and3A_312 = arith.andi %get3A_221, %and3A_311 : vector<16xi32>
        %and3A_313 = arith.constant 65535 : i32
        %and3A_314 = vector.broadcast %and3A_313 : i32 to vector<16xi32>
        %and3A_315 = arith.andi %get3A_227, %and3A_314 : vector<16xi32>
        %and3A_316 = arith.constant 65535 : i32
        %and3A_317 = vector.broadcast %and3A_316 : i32 to vector<16xi32>
        %and3A_318 = arith.andi %get3A_233, %and3A_317 : vector<16xi32>
        %and3A_319 = arith.constant 65535 : i32
        %and3A_320 = vector.broadcast %and3A_319 : i32 to vector<16xi32>
        %and3A_321 = arith.andi %get3A_239, %and3A_320 : vector<16xi32>
        %and3A_322 = arith.constant 65535 : i32
        %and3A_323 = vector.broadcast %and3A_322 : i32 to vector<16xi32>
        %and3A_324 = arith.andi %get3A_245, %and3A_323 : vector<16xi32>
        %and3A_325 = arith.constant 65535 : i32
        %and3A_326 = vector.broadcast %and3A_325 : i32 to vector<16xi32>
        %and3A_327 = arith.andi %get3A_251, %and3A_326 : vector<16xi32>
        %and3A_328 = arith.constant 65535 : i32
        %and3A_329 = vector.broadcast %and3A_328 : i32 to vector<16xi32>
        %and3A_330 = arith.andi %get3A_257, %and3A_329 : vector<16xi32>
        %and3A_331 = arith.constant 65535 : i32
        %and3A_332 = vector.broadcast %and3A_331 : i32 to vector<16xi32>
        %and3A_333 = arith.andi %get3A_263, %and3A_332 : vector<16xi32>
        %broadcast_in_dim3A_334 = arith.constant 0 : i32
        %broadcast_in_dim3A_335 = vector.broadcast %broadcast_in_dim3A_334 : i32 to vector<16xi32>
        %add3A_336 = arith.constant 0 : i32
        %add3A_337 = vector.broadcast %add3A_336 : i32 to vector<16xi32>
        %add3A_338 = arith.addi %shift_right_arithmetic3A_265, %add3A_337 : vector<16xi32>
        %gather3A = tpu.vector_load_idx %arg7[%add3A_338, %and3A_300] : memref<768x128xi32, #tpu.memory_space<vmem>>[vector<16xi32>, vector<16xi32>], vector<16xi32>,
        %shift_left3A = arith.constant 0 : i32
        %shift_left3A_339 = vector.broadcast %shift_left3A : i32 to vector<16xi32>
        %shift_left3A_340 = arith.shli %gather3A, %shift_left3A_339 : vector<16xi32>
        %or3A = arith.ori %broadcast_in_dim3A_335, %shift_left3A_340 : vector<16xi32>
        %add3A_341 = arith.constant 0 : i32
        %add3A_342 = vector.broadcast %add3A_341 : i32 to vector<16xi32>
        %add3A_343 = arith.addi %shift_right_arithmetic3A_268, %add3A_342 : vector<16xi32>
        %gather3A_344 = tpu.vector_load_idx %arg7[%add3A_343, %and3A_303] : memref<768x128xi32, #tpu.memory_space<vmem>>[vector<16xi32>, vector<16xi32>], vector<16xi32>,
        %shift_left3A_345 = arith.constant 1 : i32
        %shift_left3A_346 = vector.broadcast %shift_left3A_345 : i32 to vector<16xi32>
        %shift_left3A_347 = arith.shli %gather3A_344, %shift_left3A_346 : vector<16xi32>
        %or3A_348 = arith.ori %or3A, %shift_left3A_347 : vector<16xi32>
        %add3A_349 = arith.constant 0 : i32
        %add3A_350 = vector.broadcast %add3A_349 : i32 to vector<16xi32>
        %add3A_351 = arith.addi %shift_right_arithmetic3A_271, %add3A_350 : vector<16xi32>
        %gather3A_352 = tpu.vector_load_idx %arg7[%add3A_351, %and3A_306] : memref<768x128xi32, #tpu.memory_space<vmem>>[vector<16xi32>, vector<16xi32>], vector<16xi32>,
        %shift_left3A_353 = arith.constant 2 : i32
        %shift_left3A_354 = vector.broadcast %shift_left3A_353 : i32 to vector<16xi32>
        %shift_left3A_355 = arith.shli %gather3A_352, %shift_left3A_354 : vector<16xi32>
        %or3A_356 = arith.ori %or3A_348, %shift_left3A_355 : vector<16xi32>
        %add3A_357 = arith.constant 0 : i32
        %add3A_358 = vector.broadcast %add3A_357 : i32 to vector<16xi32>
        %add3A_359 = arith.addi %shift_right_arithmetic3A_274, %add3A_358 : vector<16xi32>
        %gather3A_360 = tpu.vector_load_idx %arg7[%add3A_359, %and3A_309] : memref<768x128xi32, #tpu.memory_space<vmem>>[vector<16xi32>, vector<16xi32>], vector<16xi32>,
        %shift_left3A_361 = arith.constant 3 : i32
        %shift_left3A_362 = vector.broadcast %shift_left3A_361 : i32 to vector<16xi32>
        %shift_left3A_363 = arith.shli %gather3A_360, %shift_left3A_362 : vector<16xi32>
        %or3A_364 = arith.ori %or3A_356, %shift_left3A_363 : vector<16xi32>
        %add3A_365 = arith.constant 0 : i32
        %add3A_366 = vector.broadcast %add3A_365 : i32 to vector<16xi32>
        %add3A_367 = arith.addi %shift_right_arithmetic3A_277, %add3A_366 : vector<16xi32>
        %gather3A_368 = tpu.vector_load_idx %arg7[%add3A_367, %and3A_312] : memref<768x128xi32, #tpu.memory_space<vmem>>[vector<16xi32>, vector<16xi32>], vector<16xi32>,
        %shift_left3A_369 = arith.constant 4 : i32
        %shift_left3A_370 = vector.broadcast %shift_left3A_369 : i32 to vector<16xi32>
        %shift_left3A_371 = arith.shli %gather3A_368, %shift_left3A_370 : vector<16xi32>
        %or3A_372 = arith.ori %or3A_364, %shift_left3A_371 : vector<16xi32>
        %add3A_373 = arith.constant 0 : i32
        %add3A_374 = vector.broadcast %add3A_373 : i32 to vector<16xi32>
        %add3A_375 = arith.addi %shift_right_arithmetic3A_280, %add3A_374 : vector<16xi32>
        %gather3A_376 = tpu.vector_load_idx %arg7[%add3A_375, %and3A_315] : memref<768x128xi32, #tpu.memory_space<vmem>>[vector<16xi32>, vector<16xi32>], vector<16xi32>,
        %shift_left3A_377 = arith.constant 5 : i32
        %shift_left3A_378 = vector.broadcast %shift_left3A_377 : i32 to vector<16xi32>
        %shift_left3A_379 = arith.shli %gather3A_376, %shift_left3A_378 : vector<16xi32>
        %or3A_380 = arith.ori %or3A_372, %shift_left3A_379 : vector<16xi32>
        %add3A_381 = arith.constant 0 : i32
        %add3A_382 = vector.broadcast %add3A_381 : i32 to vector<16xi32>
        %add3A_383 = arith.addi %shift_right_arithmetic3A_283, %add3A_382 : vector<16xi32>
        %gather3A_384 = tpu.vector_load_idx %arg7[%add3A_383, %and3A_318] : memref<768x128xi32, #tpu.memory_space<vmem>>[vector<16xi32>, vector<16xi32>], vector<16xi32>,
        %shift_left3A_385 = arith.constant 6 : i32
        %shift_left3A_386 = vector.broadcast %shift_left3A_385 : i32 to vector<16xi32>
        %shift_left3A_387 = arith.shli %gather3A_384, %shift_left3A_386 : vector<16xi32>
        %or3A_388 = arith.ori %or3A_380, %shift_left3A_387 : vector<16xi32>
        %add3A_389 = arith.constant 0 : i32
        %add3A_390 = vector.broadcast %add3A_389 : i32 to vector<16xi32>
        %add3A_391 = arith.addi %shift_right_arithmetic3A_286, %add3A_390 : vector<16xi32>
        %gather3A_392 = tpu.vector_load_idx %arg7[%add3A_391, %and3A_321] : memref<768x128xi32, #tpu.memory_space<vmem>>[vector<16xi32>, vector<16xi32>], vector<16xi32>,
        %shift_left3A_393 = arith.constant 7 : i32
        %shift_left3A_394 = vector.broadcast %shift_left3A_393 : i32 to vector<16xi32>
        %shift_left3A_395 = arith.shli %gather3A_392, %shift_left3A_394 : vector<16xi32>
        %or3A_396 = arith.ori %or3A_388, %shift_left3A_395 : vector<16xi32>
        %add3A_397 = arith.constant 0 : i32
        %add3A_398 = vector.broadcast %add3A_397 : i32 to vector<16xi32>
        %add3A_399 = arith.addi %shift_right_arithmetic3A_289, %add3A_398 : vector<16xi32>
        %gather3A_400 = tpu.vector_load_idx %arg7[%add3A_399, %and3A_324] : memref<768x128xi32, #tpu.memory_space<vmem>>[vector<16xi32>, vector<16xi32>], vector<16xi32>,
        %shift_left3A_401 = arith.constant 8 : i32
        %shift_left3A_402 = vector.broadcast %shift_left3A_401 : i32 to vector<16xi32>
        %shift_left3A_403 = arith.shli %gather3A_400, %shift_left3A_402 : vector<16xi32>
        %or3A_404 = arith.ori %or3A_396, %shift_left3A_403 : vector<16xi32>
        %add3A_405 = arith.constant 0 : i32
        %add3A_406 = vector.broadcast %add3A_405 : i32 to vector<16xi32>
        %add3A_407 = arith.addi %shift_right_arithmetic3A_292, %add3A_406 : vector<16xi32>
        %gather3A_408 = tpu.vector_load_idx %arg7[%add3A_407, %and3A_327] : memref<768x128xi32, #tpu.memory_space<vmem>>[vector<16xi32>, vector<16xi32>], vector<16xi32>,
        %shift_left3A_409 = arith.constant 9 : i32
        %shift_left3A_410 = vector.broadcast %shift_left3A_409 : i32 to vector<16xi32>
        %shift_left3A_411 = arith.shli %gather3A_408, %shift_left3A_410 : vector<16xi32>
        %or3A_412 = arith.ori %or3A_404, %shift_left3A_411 : vector<16xi32>
        %add3A_413 = arith.constant 0 : i32
        %add3A_414 = vector.broadcast %add3A_413 : i32 to vector<16xi32>
        %add3A_415 = arith.addi %shift_right_arithmetic3A_295, %add3A_414 : vector<16xi32>
        %gather3A_416 = tpu.vector_load_idx %arg7[%add3A_415, %and3A_330] : memref<768x128xi32, #tpu.memory_space<vmem>>[vector<16xi32>, vector<16xi32>], vector<16xi32>,
        %shift_left3A_417 = arith.constant 10 : i32
        %shift_left3A_418 = vector.broadcast %shift_left3A_417 : i32 to vector<16xi32>
        %shift_left3A_419 = arith.shli %gather3A_416, %shift_left3A_418 : vector<16xi32>
        %or3A_420 = arith.ori %or3A_412, %shift_left3A_419 : vector<16xi32>
        %add3A_421 = arith.constant 0 : i32
        %add3A_422 = vector.broadcast %add3A_421 : i32 to vector<16xi32>
        %add3A_423 = arith.addi %shift_right_arithmetic3A_298, %add3A_422 : vector<16xi32>
        %gather3A_424 = tpu.vector_load_idx %arg7[%add3A_423, %and3A_333] : memref<768x128xi32, #tpu.memory_space<vmem>>[vector<16xi32>, vector<16xi32>], vector<16xi32>,
        %shift_left3A_425 = arith.constant 11 : i32
        %shift_left3A_426 = vector.broadcast %shift_left3A_425 : i32 to vector<16xi32>
        %shift_left3A_427 = arith.shli %gather3A_424, %shift_left3A_426 : vector<16xi32>
        %or3A_428 = arith.ori %or3A_420, %shift_left3A_427 : vector<16xi32>
        %add3A_429 = arith.addi %or3A_428, %mul3A_5 : vector<16xi32>
        %mul3A_430 = arith.constant 65536 : i32
        %mul3A_431 = arith.muli %scan3A_191, %mul3A_430 : i32
        %add3A_432 = vector.broadcast %mul3A_431 : i32 to vector<16xi32>
        %add3A_433 = arith.addi %add3A_429, %add3A_432 : vector<16xi32>
        %shift_right_arithmetic3A_434 = arith.constant 3 : i32
        %shift_right_arithmetic3A_435 = arith.shrsi %scan3A_191, %shift_right_arithmetic3A_434 : i32
        %add3A_436 = arith.constant 0 : i32
        %add3A_437 = arith.addi %add3A_436, %shift_right_arithmetic3A_435 : i32
        %and3A_438 = arith.constant 7 : i32
        %and3A_439 = arith.andi %scan3A_191, %and3A_438 : i32
        %mul3A_440 = arith.constant 16 : i32
        %mul3A_441 = arith.muli %and3A_439, %mul3A_440 : i32
        %swap3A_442 = arith.index_cast %add3A_437 : i32 to index
        %swap3A_443 = arith.index_cast %mul3A_441 : i32 to index
        %swap3A_444 = tpu.vector_load %arg8[%swap3A_442, %swap3A_443] {strides = array<i32>} : memref<64x128xi32, #tpu.memory_space<vmem>>, vector<16xi32>,
        tpu.vector_store %arg8[%swap3A_442, %swap3A_443], %add3A_433 {strides = array<i32>} : memref<64x128xi32, #tpu.memory_space<vmem>>, vector<16xi32>,
        %broadcast_in_dim3A_445 = arith.constant 0 : i32
        %broadcast_in_dim3A_446 = vector.broadcast %broadcast_in_dim3A_445 : i32 to vector<16xi32>
        %add3A_447 = arith.constant 1 : i32
        %add3A_448 = vector.broadcast %add3A_447 : i32 to vector<16xi32>
        %add3A_449 = arith.addi %shift_right_arithmetic3A_265, %add3A_448 : vector<16xi32>
        %gather3A_450 = tpu.vector_load_idx %arg7[%add3A_449, %and3A_300] : memref<768x128xi32, #tpu.memory_space<vmem>>[vector<16xi32>, vector<16xi32>], vector<16xi32>,
        %shift_left3A_451 = arith.constant 0 : i32
        %shift_left3A_452 = vector.broadcast %shift_left3A_451 : i32 to vector<16xi32>
        %shift_left3A_453 = arith.shli %gather3A_450, %shift_left3A_452 : vector<16xi32>
        %or3A_454 = arith.ori %broadcast_in_dim3A_446, %shift_left3A_453 : vector<16xi32>
        %add3A_455 = arith.constant 1 : i32
        %add3A_456 = vector.broadcast %add3A_455 : i32 to vector<16xi32>
        %add3A_457 = arith.addi %shift_right_arithmetic3A_268, %add3A_456 : vector<16xi32>
        %gather3A_458 = tpu.vector_load_idx %arg7[%add3A_457, %and3A_303] : memref<768x128xi32, #tpu.memory_space<vmem>>[vector<16xi32>, vector<16xi32>], vector<16xi32>,
        %shift_left3A_459 = arith.constant 1 : i32
        %shift_left3A_460 = vector.broadcast %shift_left3A_459 : i32 to vector<16xi32>
        %shift_left3A_461 = arith.shli %gather3A_458, %shift_left3A_460 : vector<16xi32>
        %or3A_462 = arith.ori %or3A_454, %shift_left3A_461 : vector<16xi32>
        %add3A_463 = arith.constant 1 : i32
        %add3A_464 = vector.broadcast %add3A_463 : i32 to vector<16xi32>
        %add3A_465 = arith.addi %shift_right_arithmetic3A_271, %add3A_464 : vector<16xi32>
        %gather3A_466 = tpu.vector_load_idx %arg7[%add3A_465, %and3A_306] : memref<768x128xi32, #tpu.memory_space<vmem>>[vector<16xi32>, vector<16xi32>], vector<16xi32>,
        %shift_left3A_467 = arith.constant 2 : i32
        %shift_left3A_468 = vector.broadcast %shift_left3A_467 : i32 to vector<16xi32>
        %shift_left3A_469 = arith.shli %gather3A_466, %shift_left3A_468 : vector<16xi32>
        %or3A_470 = arith.ori %or3A_462, %shift_left3A_469 : vector<16xi32>
        %add3A_471 = arith.constant 1 : i32
        %add3A_472 = vector.broadcast %add3A_471 : i32 to vector<16xi32>
        %add3A_473 = arith.addi %shift_right_arithmetic3A_274, %add3A_472 : vector<16xi32>
        %gather3A_474 = tpu.vector_load_idx %arg7[%add3A_473, %and3A_309] : memref<768x128xi32, #tpu.memory_space<vmem>>[vector<16xi32>, vector<16xi32>], vector<16xi32>,
        %shift_left3A_475 = arith.constant 3 : i32
        %shift_left3A_476 = vector.broadcast %shift_left3A_475 : i32 to vector<16xi32>
        %shift_left3A_477 = arith.shli %gather3A_474, %shift_left3A_476 : vector<16xi32>
        %or3A_478 = arith.ori %or3A_470, %shift_left3A_477 : vector<16xi32>
        %add3A_479 = arith.constant 1 : i32
        %add3A_480 = vector.broadcast %add3A_479 : i32 to vector<16xi32>
        %add3A_481 = arith.addi %shift_right_arithmetic3A_277, %add3A_480 : vector<16xi32>
        %gather3A_482 = tpu.vector_load_idx %arg7[%add3A_481, %and3A_312] : memref<768x128xi32, #tpu.memory_space<vmem>>[vector<16xi32>, vector<16xi32>], vector<16xi32>,
        %shift_left3A_483 = arith.constant 4 : i32
        %shift_left3A_484 = vector.broadcast %shift_left3A_483 : i32 to vector<16xi32>
        %shift_left3A_485 = arith.shli %gather3A_482, %shift_left3A_484 : vector<16xi32>
        %or3A_486 = arith.ori %or3A_478, %shift_left3A_485 : vector<16xi32>
        %add3A_487 = arith.constant 1 : i32
        %add3A_488 = vector.broadcast %add3A_487 : i32 to vector<16xi32>
        %add3A_489 = arith.addi %shift_right_arithmetic3A_280, %add3A_488 : vector<16xi32>
        %gather3A_490 = tpu.vector_load_idx %arg7[%add3A_489, %and3A_315] : memref<768x128xi32, #tpu.memory_space<vmem>>[vector<16xi32>, vector<16xi32>], vector<16xi32>,
        %shift_left3A_491 = arith.constant 5 : i32
        %shift_left3A_492 = vector.broadcast %shift_left3A_491 : i32 to vector<16xi32>
        %shift_left3A_493 = arith.shli %gather3A_490, %shift_left3A_492 : vector<16xi32>
        %or3A_494 = arith.ori %or3A_486, %shift_left3A_493 : vector<16xi32>
        %add3A_495 = arith.constant 1 : i32
        %add3A_496 = vector.broadcast %add3A_495 : i32 to vector<16xi32>
        %add3A_497 = arith.addi %shift_right_arithmetic3A_283, %add3A_496 : vector<16xi32>
        %gather3A_498 = tpu.vector_load_idx %arg7[%add3A_497, %and3A_318] : memref<768x128xi32, #tpu.memory_space<vmem>>[vector<16xi32>, vector<16xi32>], vector<16xi32>,
        %shift_left3A_499 = arith.constant 6 : i32
        %shift_left3A_500 = vector.broadcast %shift_left3A_499 : i32 to vector<16xi32>
        %shift_left3A_501 = arith.shli %gather3A_498, %shift_left3A_500 : vector<16xi32>
        %or3A_502 = arith.ori %or3A_494, %shift_left3A_501 : vector<16xi32>
        %add3A_503 = arith.constant 1 : i32
        %add3A_504 = vector.broadcast %add3A_503 : i32 to vector<16xi32>
        %add3A_505 = arith.addi %shift_right_arithmetic3A_286, %add3A_504 : vector<16xi32>
        %gather3A_506 = tpu.vector_load_idx %arg7[%add3A_505, %and3A_321] : memref<768x128xi32, #tpu.memory_space<vmem>>[vector<16xi32>, vector<16xi32>], vector<16xi32>,
        %shift_left3A_507 = arith.constant 7 : i32
        %shift_left3A_508 = vector.broadcast %shift_left3A_507 : i32 to vector<16xi32>
        %shift_left3A_509 = arith.shli %gather3A_506, %shift_left3A_508 : vector<16xi32>
        %or3A_510 = arith.ori %or3A_502, %shift_left3A_509 : vector<16xi32>
        %add3A_511 = arith.constant 1 : i32
        %add3A_512 = vector.broadcast %add3A_511 : i32 to vector<16xi32>
        %add3A_513 = arith.addi %shift_right_arithmetic3A_289, %add3A_512 : vector<16xi32>
        %gather3A_514 = tpu.vector_load_idx %arg7[%add3A_513, %and3A_324] : memref<768x128xi32, #tpu.memory_space<vmem>>[vector<16xi32>, vector<16xi32>], vector<16xi32>,
        %shift_left3A_515 = arith.constant 8 : i32
        %shift_left3A_516 = vector.broadcast %shift_left3A_515 : i32 to vector<16xi32>
        %shift_left3A_517 = arith.shli %gather3A_514, %shift_left3A_516 : vector<16xi32>
        %or3A_518 = arith.ori %or3A_510, %shift_left3A_517 : vector<16xi32>
        %add3A_519 = arith.constant 1 : i32
        %add3A_520 = vector.broadcast %add3A_519 : i32 to vector<16xi32>
        %add3A_521 = arith.addi %shift_right_arithmetic3A_292, %add3A_520 : vector<16xi32>
        %gather3A_522 = tpu.vector_load_idx %arg7[%add3A_521, %and3A_327] : memref<768x128xi32, #tpu.memory_space<vmem>>[vector<16xi32>, vector<16xi32>], vector<16xi32>,
        %shift_left3A_523 = arith.constant 9 : i32
        %shift_left3A_524 = vector.broadcast %shift_left3A_523 : i32 to vector<16xi32>
        %shift_left3A_525 = arith.shli %gather3A_522, %shift_left3A_524 : vector<16xi32>
        %or3A_526 = arith.ori %or3A_518, %shift_left3A_525 : vector<16xi32>
        %add3A_527 = arith.constant 1 : i32
        %add3A_528 = vector.broadcast %add3A_527 : i32 to vector<16xi32>
        %add3A_529 = arith.addi %shift_right_arithmetic3A_295, %add3A_528 : vector<16xi32>
        %gather3A_530 = tpu.vector_load_idx %arg7[%add3A_529, %and3A_330] : memref<768x128xi32, #tpu.memory_space<vmem>>[vector<16xi32>, vector<16xi32>], vector<16xi32>,
        %shift_left3A_531 = arith.constant 10 : i32
        %shift_left3A_532 = vector.broadcast %shift_left3A_531 : i32 to vector<16xi32>
        %shift_left3A_533 = arith.shli %gather3A_530, %shift_left3A_532 : vector<16xi32>
        %or3A_534 = arith.ori %or3A_526, %shift_left3A_533 : vector<16xi32>
        %add3A_535 = arith.constant 1 : i32
        %add3A_536 = vector.broadcast %add3A_535 : i32 to vector<16xi32>
        %add3A_537 = arith.addi %shift_right_arithmetic3A_298, %add3A_536 : vector<16xi32>
        %gather3A_538 = tpu.vector_load_idx %arg7[%add3A_537, %and3A_333] : memref<768x128xi32, #tpu.memory_space<vmem>>[vector<16xi32>, vector<16xi32>], vector<16xi32>,
        %shift_left3A_539 = arith.constant 11 : i32
        %shift_left3A_540 = vector.broadcast %shift_left3A_539 : i32 to vector<16xi32>
        %shift_left3A_541 = arith.shli %gather3A_538, %shift_left3A_540 : vector<16xi32>
        %or3A_542 = arith.ori %or3A_534, %shift_left3A_541 : vector<16xi32>
        %add3A_543 = arith.addi %or3A_542, %mul3A_5 : vector<16xi32>
        %mul3A_544 = arith.constant 65536 : i32
        %mul3A_545 = arith.muli %scan3A_191, %mul3A_544 : i32
        %add3A_546 = vector.broadcast %mul3A_545 : i32 to vector<16xi32>
        %add3A_547 = arith.addi %add3A_543, %add3A_546 : vector<16xi32>
        %shift_right_arithmetic3A_548 = arith.constant 3 : i32
        %shift_right_arithmetic3A_549 = arith.shrsi %scan3A_191, %shift_right_arithmetic3A_548 : i32
        %add3A_550 = arith.constant 8 : i32
        %add3A_551 = arith.addi %add3A_550, %shift_right_arithmetic3A_549 : i32
        %and3A_552 = arith.constant 7 : i32
        %and3A_553 = arith.andi %scan3A_191, %and3A_552 : i32
        %mul3A_554 = arith.constant 16 : i32
        %mul3A_555 = arith.muli %and3A_553, %mul3A_554 : i32
        %swap3A_556 = arith.index_cast %add3A_551 : i32 to index
        %swap3A_557 = arith.index_cast %mul3A_555 : i32 to index
        %swap3A_558 = tpu.vector_load %arg8[%swap3A_556, %swap3A_557] {strides = array<i32>} : memref<64x128xi32, #tpu.memory_space<vmem>>, vector<16xi32>,
        tpu.vector_store %arg8[%swap3A_556, %swap3A_557], %add3A_547 {strides = array<i32>} : memref<64x128xi32, #tpu.memory_space<vmem>>, vector<16xi32>,
        %broadcast_in_dim3A_559 = arith.constant 0 : i32
        %broadcast_in_dim3A_560 = vector.broadcast %broadcast_in_dim3A_559 : i32 to vector<16xi32>
        %add3A_561 = arith.constant 2 : i32
        %add3A_562 = vector.broadcast %add3A_561 : i32 to vector<16xi32>
        %add3A_563 = arith.addi %shift_right_arithmetic3A_265, %add3A_562 : vector<16xi32>
        %gather3A_564 = tpu.vector_load_idx %arg7[%add3A_563, %and3A_300] : memref<768x128xi32, #tpu.memory_space<vmem>>[vector<16xi32>, vector<16xi32>], vector<16xi32>,
        %shift_left3A_565 = arith.constant 0 : i32
        %shift_left3A_566 = vector.broadcast %shift_left3A_565 : i32 to vector<16xi32>
        %shift_left3A_567 = arith.shli %gather3A_564, %shift_left3A_566 : vector<16xi32>
        %or3A_568 = arith.ori %broadcast_in_dim3A_560, %shift_left3A_567 : vector<16xi32>
        %add3A_569 = arith.constant 2 : i32
        %add3A_570 = vector.broadcast %add3A_569 : i32 to vector<16xi32>
        %add3A_571 = arith.addi %shift_right_arithmetic3A_268, %add3A_570 : vector<16xi32>
        %gather3A_572 = tpu.vector_load_idx %arg7[%add3A_571, %and3A_303] : memref<768x128xi32, #tpu.memory_space<vmem>>[vector<16xi32>, vector<16xi32>], vector<16xi32>,
        %shift_left3A_573 = arith.constant 1 : i32
        %shift_left3A_574 = vector.broadcast %shift_left3A_573 : i32 to vector<16xi32>
        %shift_left3A_575 = arith.shli %gather3A_572, %shift_left3A_574 : vector<16xi32>
        %or3A_576 = arith.ori %or3A_568, %shift_left3A_575 : vector<16xi32>
        %add3A_577 = arith.constant 2 : i32
        %add3A_578 = vector.broadcast %add3A_577 : i32 to vector<16xi32>
        %add3A_579 = arith.addi %shift_right_arithmetic3A_271, %add3A_578 : vector<16xi32>
        %gather3A_580 = tpu.vector_load_idx %arg7[%add3A_579, %and3A_306] : memref<768x128xi32, #tpu.memory_space<vmem>>[vector<16xi32>, vector<16xi32>], vector<16xi32>,
        %shift_left3A_581 = arith.constant 2 : i32
        %shift_left3A_582 = vector.broadcast %shift_left3A_581 : i32 to vector<16xi32>
        %shift_left3A_583 = arith.shli %gather3A_580, %shift_left3A_582 : vector<16xi32>
        %or3A_584 = arith.ori %or3A_576, %shift_left3A_583 : vector<16xi32>
        %add3A_585 = arith.constant 2 : i32
        %add3A_586 = vector.broadcast %add3A_585 : i32 to vector<16xi32>
        %add3A_587 = arith.addi %shift_right_arithmetic3A_274, %add3A_586 : vector<16xi32>
        %gather3A_588 = tpu.vector_load_idx %arg7[%add3A_587, %and3A_309] : memref<768x128xi32, #tpu.memory_space<vmem>>[vector<16xi32>, vector<16xi32>], vector<16xi32>,
        %shift_left3A_589 = arith.constant 3 : i32
        %shift_left3A_590 = vector.broadcast %shift_left3A_589 : i32 to vector<16xi32>
        %shift_left3A_591 = arith.shli %gather3A_588, %shift_left3A_590 : vector<16xi32>
        %or3A_592 = arith.ori %or3A_584, %shift_left3A_591 : vector<16xi32>
        %add3A_593 = arith.constant 2 : i32
        %add3A_594 = vector.broadcast %add3A_593 : i32 to vector<16xi32>
        %add3A_595 = arith.addi %shift_right_arithmetic3A_277, %add3A_594 : vector<16xi32>
        %gather3A_596 = tpu.vector_load_idx %arg7[%add3A_595, %and3A_312] : memref<768x128xi32, #tpu.memory_space<vmem>>[vector<16xi32>, vector<16xi32>], vector<16xi32>,
        %shift_left3A_597 = arith.constant 4 : i32
        %shift_left3A_598 = vector.broadcast %shift_left3A_597 : i32 to vector<16xi32>
        %shift_left3A_599 = arith.shli %gather3A_596, %shift_left3A_598 : vector<16xi32>
        %or3A_600 = arith.ori %or3A_592, %shift_left3A_599 : vector<16xi32>
        %add3A_601 = arith.constant 2 : i32
        %add3A_602 = vector.broadcast %add3A_601 : i32 to vector<16xi32>
        %add3A_603 = arith.addi %shift_right_arithmetic3A_280, %add3A_602 : vector<16xi32>
        %gather3A_604 = tpu.vector_load_idx %arg7[%add3A_603, %and3A_315] : memref<768x128xi32, #tpu.memory_space<vmem>>[vector<16xi32>, vector<16xi32>], vector<16xi32>,
        %shift_left3A_605 = arith.constant 5 : i32
        %shift_left3A_606 = vector.broadcast %shift_left3A_605 : i32 to vector<16xi32>
        %shift_left3A_607 = arith.shli %gather3A_604, %shift_left3A_606 : vector<16xi32>
        %or3A_608 = arith.ori %or3A_600, %shift_left3A_607 : vector<16xi32>
        %add3A_609 = arith.constant 2 : i32
        %add3A_610 = vector.broadcast %add3A_609 : i32 to vector<16xi32>
        %add3A_611 = arith.addi %shift_right_arithmetic3A_283, %add3A_610 : vector<16xi32>
        %gather3A_612 = tpu.vector_load_idx %arg7[%add3A_611, %and3A_318] : memref<768x128xi32, #tpu.memory_space<vmem>>[vector<16xi32>, vector<16xi32>], vector<16xi32>,
        %shift_left3A_613 = arith.constant 6 : i32
        %shift_left3A_614 = vector.broadcast %shift_left3A_613 : i32 to vector<16xi32>
        %shift_left3A_615 = arith.shli %gather3A_612, %shift_left3A_614 : vector<16xi32>
        %or3A_616 = arith.ori %or3A_608, %shift_left3A_615 : vector<16xi32>
        %add3A_617 = arith.constant 2 : i32
        %add3A_618 = vector.broadcast %add3A_617 : i32 to vector<16xi32>
        %add3A_619 = arith.addi %shift_right_arithmetic3A_286, %add3A_618 : vector<16xi32>
        %gather3A_620 = tpu.vector_load_idx %arg7[%add3A_619, %and3A_321] : memref<768x128xi32, #tpu.memory_space<vmem>>[vector<16xi32>, vector<16xi32>], vector<16xi32>,
        %shift_left3A_621 = arith.constant 7 : i32
        %shift_left3A_622 = vector.broadcast %shift_left3A_621 : i32 to vector<16xi32>
        %shift_left3A_623 = arith.shli %gather3A_620, %shift_left3A_622 : vector<16xi32>
        %or3A_624 = arith.ori %or3A_616, %shift_left3A_623 : vector<16xi32>
        %add3A_625 = arith.constant 2 : i32
        %add3A_626 = vector.broadcast %add3A_625 : i32 to vector<16xi32>
        %add3A_627 = arith.addi %shift_right_arithmetic3A_289, %add3A_626 : vector<16xi32>
        %gather3A_628 = tpu.vector_load_idx %arg7[%add3A_627, %and3A_324] : memref<768x128xi32, #tpu.memory_space<vmem>>[vector<16xi32>, vector<16xi32>], vector<16xi32>,
        %shift_left3A_629 = arith.constant 8 : i32
        %shift_left3A_630 = vector.broadcast %shift_left3A_629 : i32 to vector<16xi32>
        %shift_left3A_631 = arith.shli %gather3A_628, %shift_left3A_630 : vector<16xi32>
        %or3A_632 = arith.ori %or3A_624, %shift_left3A_631 : vector<16xi32>
        %add3A_633 = arith.constant 2 : i32
        %add3A_634 = vector.broadcast %add3A_633 : i32 to vector<16xi32>
        %add3A_635 = arith.addi %shift_right_arithmetic3A_292, %add3A_634 : vector<16xi32>
        %gather3A_636 = tpu.vector_load_idx %arg7[%add3A_635, %and3A_327] : memref<768x128xi32, #tpu.memory_space<vmem>>[vector<16xi32>, vector<16xi32>], vector<16xi32>,
        %shift_left3A_637 = arith.constant 9 : i32
        %shift_left3A_638 = vector.broadcast %shift_left3A_637 : i32 to vector<16xi32>
        %shift_left3A_639 = arith.shli %gather3A_636, %shift_left3A_638 : vector<16xi32>
        %or3A_640 = arith.ori %or3A_632, %shift_left3A_639 : vector<16xi32>
        %add3A_641 = arith.constant 2 : i32
        %add3A_642 = vector.broadcast %add3A_641 : i32 to vector<16xi32>
        %add3A_643 = arith.addi %shift_right_arithmetic3A_295, %add3A_642 : vector<16xi32>
        %gather3A_644 = tpu.vector_load_idx %arg7[%add3A_643, %and3A_330] : memref<768x128xi32, #tpu.memory_space<vmem>>[vector<16xi32>, vector<16xi32>], vector<16xi32>,
        %shift_left3A_645 = arith.constant 10 : i32
        %shift_left3A_646 = vector.broadcast %shift_left3A_645 : i32 to vector<16xi32>
        %shift_left3A_647 = arith.shli %gather3A_644, %shift_left3A_646 : vector<16xi32>
        %or3A_648 = arith.ori %or3A_640, %shift_left3A_647 : vector<16xi32>
        %add3A_649 = arith.constant 2 : i32
        %add3A_650 = vector.broadcast %add3A_649 : i32 to vector<16xi32>
        %add3A_651 = arith.addi %shift_right_arithmetic3A_298, %add3A_650 : vector<16xi32>
        %gather3A_652 = tpu.vector_load_idx %arg7[%add3A_651, %and3A_333] : memref<768x128xi32, #tpu.memory_space<vmem>>[vector<16xi32>, vector<16xi32>], vector<16xi32>,
        %shift_left3A_653 = arith.constant 11 : i32
        %shift_left3A_654 = vector.broadcast %shift_left3A_653 : i32 to vector<16xi32>
        %shift_left3A_655 = arith.shli %gather3A_652, %shift_left3A_654 : vector<16xi32>
        %or3A_656 = arith.ori %or3A_648, %shift_left3A_655 : vector<16xi32>
        %add3A_657 = arith.addi %or3A_656, %mul3A_5 : vector<16xi32>
        %mul3A_658 = arith.constant 65536 : i32
        %mul3A_659 = arith.muli %scan3A_191, %mul3A_658 : i32
        %add3A_660 = vector.broadcast %mul3A_659 : i32 to vector<16xi32>
        %add3A_661 = arith.addi %add3A_657, %add3A_660 : vector<16xi32>
        %shift_right_arithmetic3A_662 = arith.constant 3 : i32
        %shift_right_arithmetic3A_663 = arith.shrsi %scan3A_191, %shift_right_arithmetic3A_662 : i32
        %add3A_664 = arith.constant 16 : i32
        %add3A_665 = arith.addi %add3A_664, %shift_right_arithmetic3A_663 : i32
        %and3A_666 = arith.constant 7 : i32
        %and3A_667 = arith.andi %scan3A_191, %and3A_666 : i32
        %mul3A_668 = arith.constant 16 : i32
        %mul3A_669 = arith.muli %and3A_667, %mul3A_668 : i32
        %swap3A_670 = arith.index_cast %add3A_665 : i32 to index
        %swap3A_671 = arith.index_cast %mul3A_669 : i32 to index
        %swap3A_672 = tpu.vector_load %arg8[%swap3A_670, %swap3A_671] {strides = array<i32>} : memref<64x128xi32, #tpu.memory_space<vmem>>, vector<16xi32>,
        tpu.vector_store %arg8[%swap3A_670, %swap3A_671], %add3A_661 {strides = array<i32>} : memref<64x128xi32, #tpu.memory_space<vmem>>, vector<16xi32>,
        %broadcast_in_dim3A_673 = arith.constant 0 : i32
        %broadcast_in_dim3A_674 = vector.broadcast %broadcast_in_dim3A_673 : i32 to vector<16xi32>
        %add3A_675 = arith.constant 3 : i32
        %add3A_676 = vector.broadcast %add3A_675 : i32 to vector<16xi32>
        %add3A_677 = arith.addi %shift_right_arithmetic3A_265, %add3A_676 : vector<16xi32>
        %gather3A_678 = tpu.vector_load_idx %arg7[%add3A_677, %and3A_300] : memref<768x128xi32, #tpu.memory_space<vmem>>[vector<16xi32>, vector<16xi32>], vector<16xi32>,
        %shift_left3A_679 = arith.constant 0 : i32
        %shift_left3A_680 = vector.broadcast %shift_left3A_679 : i32 to vector<16xi32>
        %shift_left3A_681 = arith.shli %gather3A_678, %shift_left3A_680 : vector<16xi32>
        %or3A_682 = arith.ori %broadcast_in_dim3A_674, %shift_left3A_681 : vector<16xi32>
        %add3A_683 = arith.constant 3 : i32
        %add3A_684 = vector.broadcast %add3A_683 : i32 to vector<16xi32>
        %add3A_685 = arith.addi %shift_right_arithmetic3A_268, %add3A_684 : vector<16xi32>
        %gather3A_686 = tpu.vector_load_idx %arg7[%add3A_685, %and3A_303] : memref<768x128xi32, #tpu.memory_space<vmem>>[vector<16xi32>, vector<16xi32>], vector<16xi32>,
        %shift_left3A_687 = arith.constant 1 : i32
        %shift_left3A_688 = vector.broadcast %shift_left3A_687 : i32 to vector<16xi32>
        %shift_left3A_689 = arith.shli %gather3A_686, %shift_left3A_688 : vector<16xi32>
        %or3A_690 = arith.ori %or3A_682, %shift_left3A_689 : vector<16xi32>
        %add3A_691 = arith.constant 3 : i32
        %add3A_692 = vector.broadcast %add3A_691 : i32 to vector<16xi32>
        %add3A_693 = arith.addi %shift_right_arithmetic3A_271, %add3A_692 : vector<16xi32>
        %gather3A_694 = tpu.vector_load_idx %arg7[%add3A_693, %and3A_306] : memref<768x128xi32, #tpu.memory_space<vmem>>[vector<16xi32>, vector<16xi32>], vector<16xi32>,
        %shift_left3A_695 = arith.constant 2 : i32
        %shift_left3A_696 = vector.broadcast %shift_left3A_695 : i32 to vector<16xi32>
        %shift_left3A_697 = arith.shli %gather3A_694, %shift_left3A_696 : vector<16xi32>
        %or3A_698 = arith.ori %or3A_690, %shift_left3A_697 : vector<16xi32>
        %add3A_699 = arith.constant 3 : i32
        %add3A_700 = vector.broadcast %add3A_699 : i32 to vector<16xi32>
        %add3A_701 = arith.addi %shift_right_arithmetic3A_274, %add3A_700 : vector<16xi32>
        %gather3A_702 = tpu.vector_load_idx %arg7[%add3A_701, %and3A_309] : memref<768x128xi32, #tpu.memory_space<vmem>>[vector<16xi32>, vector<16xi32>], vector<16xi32>,
        %shift_left3A_703 = arith.constant 3 : i32
        %shift_left3A_704 = vector.broadcast %shift_left3A_703 : i32 to vector<16xi32>
        %shift_left3A_705 = arith.shli %gather3A_702, %shift_left3A_704 : vector<16xi32>
        %or3A_706 = arith.ori %or3A_698, %shift_left3A_705 : vector<16xi32>
        %add3A_707 = arith.constant 3 : i32
        %add3A_708 = vector.broadcast %add3A_707 : i32 to vector<16xi32>
        %add3A_709 = arith.addi %shift_right_arithmetic3A_277, %add3A_708 : vector<16xi32>
        %gather3A_710 = tpu.vector_load_idx %arg7[%add3A_709, %and3A_312] : memref<768x128xi32, #tpu.memory_space<vmem>>[vector<16xi32>, vector<16xi32>], vector<16xi32>,
        %shift_left3A_711 = arith.constant 4 : i32
        %shift_left3A_712 = vector.broadcast %shift_left3A_711 : i32 to vector<16xi32>
        %shift_left3A_713 = arith.shli %gather3A_710, %shift_left3A_712 : vector<16xi32>
        %or3A_714 = arith.ori %or3A_706, %shift_left3A_713 : vector<16xi32>
        %add3A_715 = arith.constant 3 : i32
        %add3A_716 = vector.broadcast %add3A_715 : i32 to vector<16xi32>
        %add3A_717 = arith.addi %shift_right_arithmetic3A_280, %add3A_716 : vector<16xi32>
        %gather3A_718 = tpu.vector_load_idx %arg7[%add3A_717, %and3A_315] : memref<768x128xi32, #tpu.memory_space<vmem>>[vector<16xi32>, vector<16xi32>], vector<16xi32>,
        %shift_left3A_719 = arith.constant 5 : i32
        %shift_left3A_720 = vector.broadcast %shift_left3A_719 : i32 to vector<16xi32>
        %shift_left3A_721 = arith.shli %gather3A_718, %shift_left3A_720 : vector<16xi32>
        %or3A_722 = arith.ori %or3A_714, %shift_left3A_721 : vector<16xi32>
        %add3A_723 = arith.constant 3 : i32
        %add3A_724 = vector.broadcast %add3A_723 : i32 to vector<16xi32>
        %add3A_725 = arith.addi %shift_right_arithmetic3A_283, %add3A_724 : vector<16xi32>
        %gather3A_726 = tpu.vector_load_idx %arg7[%add3A_725, %and3A_318] : memref<768x128xi32, #tpu.memory_space<vmem>>[vector<16xi32>, vector<16xi32>], vector<16xi32>,
        %shift_left3A_727 = arith.constant 6 : i32
        %shift_left3A_728 = vector.broadcast %shift_left3A_727 : i32 to vector<16xi32>
        %shift_left3A_729 = arith.shli %gather3A_726, %shift_left3A_728 : vector<16xi32>
        %or3A_730 = arith.ori %or3A_722, %shift_left3A_729 : vector<16xi32>
        %add3A_731 = arith.constant 3 : i32
        %add3A_732 = vector.broadcast %add3A_731 : i32 to vector<16xi32>
        %add3A_733 = arith.addi %shift_right_arithmetic3A_286, %add3A_732 : vector<16xi32>
        %gather3A_734 = tpu.vector_load_idx %arg7[%add3A_733, %and3A_321] : memref<768x128xi32, #tpu.memory_space<vmem>>[vector<16xi32>, vector<16xi32>], vector<16xi32>,
        %shift_left3A_735 = arith.constant 7 : i32
        %shift_left3A_736 = vector.broadcast %shift_left3A_735 : i32 to vector<16xi32>
        %shift_left3A_737 = arith.shli %gather3A_734, %shift_left3A_736 : vector<16xi32>
        %or3A_738 = arith.ori %or3A_730, %shift_left3A_737 : vector<16xi32>
        %add3A_739 = arith.constant 3 : i32
        %add3A_740 = vector.broadcast %add3A_739 : i32 to vector<16xi32>
        %add3A_741 = arith.addi %shift_right_arithmetic3A_289, %add3A_740 : vector<16xi32>
        %gather3A_742 = tpu.vector_load_idx %arg7[%add3A_741, %and3A_324] : memref<768x128xi32, #tpu.memory_space<vmem>>[vector<16xi32>, vector<16xi32>], vector<16xi32>,
        %shift_left3A_743 = arith.constant 8 : i32
        %shift_left3A_744 = vector.broadcast %shift_left3A_743 : i32 to vector<16xi32>
        %shift_left3A_745 = arith.shli %gather3A_742, %shift_left3A_744 : vector<16xi32>
        %or3A_746 = arith.ori %or3A_738, %shift_left3A_745 : vector<16xi32>
        %add3A_747 = arith.constant 3 : i32
        %add3A_748 = vector.broadcast %add3A_747 : i32 to vector<16xi32>
        %add3A_749 = arith.addi %shift_right_arithmetic3A_292, %add3A_748 : vector<16xi32>
        %gather3A_750 = tpu.vector_load_idx %arg7[%add3A_749, %and3A_327] : memref<768x128xi32, #tpu.memory_space<vmem>>[vector<16xi32>, vector<16xi32>], vector<16xi32>,
        %shift_left3A_751 = arith.constant 9 : i32
        %shift_left3A_752 = vector.broadcast %shift_left3A_751 : i32 to vector<16xi32>
        %shift_left3A_753 = arith.shli %gather3A_750, %shift_left3A_752 : vector<16xi32>
        %or3A_754 = arith.ori %or3A_746, %shift_left3A_753 : vector<16xi32>
        %add3A_755 = arith.constant 3 : i32
        %add3A_756 = vector.broadcast %add3A_755 : i32 to vector<16xi32>
        %add3A_757 = arith.addi %shift_right_arithmetic3A_295, %add3A_756 : vector<16xi32>
        %gather3A_758 = tpu.vector_load_idx %arg7[%add3A_757, %and3A_330] : memref<768x128xi32, #tpu.memory_space<vmem>>[vector<16xi32>, vector<16xi32>], vector<16xi32>,
        %shift_left3A_759 = arith.constant 10 : i32
        %shift_left3A_760 = vector.broadcast %shift_left3A_759 : i32 to vector<16xi32>
        %shift_left3A_761 = arith.shli %gather3A_758, %shift_left3A_760 : vector<16xi32>
        %or3A_762 = arith.ori %or3A_754, %shift_left3A_761 : vector<16xi32>
        %add3A_763 = arith.constant 3 : i32
        %add3A_764 = vector.broadcast %add3A_763 : i32 to vector<16xi32>
        %add3A_765 = arith.addi %shift_right_arithmetic3A_298, %add3A_764 : vector<16xi32>
        %gather3A_766 = tpu.vector_load_idx %arg7[%add3A_765, %and3A_333] : memref<768x128xi32, #tpu.memory_space<vmem>>[vector<16xi32>, vector<16xi32>], vector<16xi32>,
        %shift_left3A_767 = arith.constant 11 : i32
        %shift_left3A_768 = vector.broadcast %shift_left3A_767 : i32 to vector<16xi32>
        %shift_left3A_769 = arith.shli %gather3A_766, %shift_left3A_768 : vector<16xi32>
        %or3A_770 = arith.ori %or3A_762, %shift_left3A_769 : vector<16xi32>
        %add3A_771 = arith.addi %or3A_770, %mul3A_5 : vector<16xi32>
        %mul3A_772 = arith.constant 65536 : i32
        %mul3A_773 = arith.muli %scan3A_191, %mul3A_772 : i32
        %add3A_774 = vector.broadcast %mul3A_773 : i32 to vector<16xi32>
        %add3A_775 = arith.addi %add3A_771, %add3A_774 : vector<16xi32>
        %shift_right_arithmetic3A_776 = arith.constant 3 : i32
        %shift_right_arithmetic3A_777 = arith.shrsi %scan3A_191, %shift_right_arithmetic3A_776 : i32
        %add3A_778 = arith.constant 24 : i32
        %add3A_779 = arith.addi %add3A_778, %shift_right_arithmetic3A_777 : i32
        %and3A_780 = arith.constant 7 : i32
        %and3A_781 = arith.andi %scan3A_191, %and3A_780 : i32
        %mul3A_782 = arith.constant 16 : i32
        %mul3A_783 = arith.muli %and3A_781, %mul3A_782 : i32
        %swap3A_784 = arith.index_cast %add3A_779 : i32 to index
        %swap3A_785 = arith.index_cast %mul3A_783 : i32 to index
        %swap3A_786 = tpu.vector_load %arg8[%swap3A_784, %swap3A_785] {strides = array<i32>} : memref<64x128xi32, #tpu.memory_space<vmem>>, vector<16xi32>,
        tpu.vector_store %arg8[%swap3A_784, %swap3A_785], %add3A_775 {strides = array<i32>} : memref<64x128xi32, #tpu.memory_space<vmem>>, vector<16xi32>,
        %broadcast_in_dim3A_787 = arith.constant 0 : i32
        %broadcast_in_dim3A_788 = vector.broadcast %broadcast_in_dim3A_787 : i32 to vector<16xi32>
        %add3A_789 = arith.constant 4 : i32
        %add3A_790 = vector.broadcast %add3A_789 : i32 to vector<16xi32>
        %add3A_791 = arith.addi %shift_right_arithmetic3A_265, %add3A_790 : vector<16xi32>
        %gather3A_792 = tpu.vector_load_idx %arg7[%add3A_791, %and3A_300] : memref<768x128xi32, #tpu.memory_space<vmem>>[vector<16xi32>, vector<16xi32>], vector<16xi32>,
        %shift_left3A_793 = arith.constant 0 : i32
        %shift_left3A_794 = vector.broadcast %shift_left3A_793 : i32 to vector<16xi32>
        %shift_left3A_795 = arith.shli %gather3A_792, %shift_left3A_794 : vector<16xi32>
        %or3A_796 = arith.ori %broadcast_in_dim3A_788, %shift_left3A_795 : vector<16xi32>
        %add3A_797 = arith.constant 4 : i32
        %add3A_798 = vector.broadcast %add3A_797 : i32 to vector<16xi32>
        %add3A_799 = arith.addi %shift_right_arithmetic3A_268, %add3A_798 : vector<16xi32>
        %gather3A_800 = tpu.vector_load_idx %arg7[%add3A_799, %and3A_303] : memref<768x128xi32, #tpu.memory_space<vmem>>[vector<16xi32>, vector<16xi32>], vector<16xi32>,
        %shift_left3A_801 = arith.constant 1 : i32
        %shift_left3A_802 = vector.broadcast %shift_left3A_801 : i32 to vector<16xi32>
        %shift_left3A_803 = arith.shli %gather3A_800, %shift_left3A_802 : vector<16xi32>
        %or3A_804 = arith.ori %or3A_796, %shift_left3A_803 : vector<16xi32>
        %add3A_805 = arith.constant 4 : i32
        %add3A_806 = vector.broadcast %add3A_805 : i32 to vector<16xi32>
        %add3A_807 = arith.addi %shift_right_arithmetic3A_271, %add3A_806 : vector<16xi32>
        %gather3A_808 = tpu.vector_load_idx %arg7[%add3A_807, %and3A_306] : memref<768x128xi32, #tpu.memory_space<vmem>>[vector<16xi32>, vector<16xi32>], vector<16xi32>,
        %shift_left3A_809 = arith.constant 2 : i32
        %shift_left3A_810 = vector.broadcast %shift_left3A_809 : i32 to vector<16xi32>
        %shift_left3A_811 = arith.shli %gather3A_808, %shift_left3A_810 : vector<16xi32>
        %or3A_812 = arith.ori %or3A_804, %shift_left3A_811 : vector<16xi32>
        %add3A_813 = arith.constant 4 : i32
        %add3A_814 = vector.broadcast %add3A_813 : i32 to vector<16xi32>
        %add3A_815 = arith.addi %shift_right_arithmetic3A_274, %add3A_814 : vector<16xi32>
        %gather3A_816 = tpu.vector_load_idx %arg7[%add3A_815, %and3A_309] : memref<768x128xi32, #tpu.memory_space<vmem>>[vector<16xi32>, vector<16xi32>], vector<16xi32>,
        %shift_left3A_817 = arith.constant 3 : i32
        %shift_left3A_818 = vector.broadcast %shift_left3A_817 : i32 to vector<16xi32>
        %shift_left3A_819 = arith.shli %gather3A_816, %shift_left3A_818 : vector<16xi32>
        %or3A_820 = arith.ori %or3A_812, %shift_left3A_819 : vector<16xi32>
        %add3A_821 = arith.constant 4 : i32
        %add3A_822 = vector.broadcast %add3A_821 : i32 to vector<16xi32>
        %add3A_823 = arith.addi %shift_right_arithmetic3A_277, %add3A_822 : vector<16xi32>
        %gather3A_824 = tpu.vector_load_idx %arg7[%add3A_823, %and3A_312] : memref<768x128xi32, #tpu.memory_space<vmem>>[vector<16xi32>, vector<16xi32>], vector<16xi32>,
        %shift_left3A_825 = arith.constant 4 : i32
        %shift_left3A_826 = vector.broadcast %shift_left3A_825 : i32 to vector<16xi32>
        %shift_left3A_827 = arith.shli %gather3A_824, %shift_left3A_826 : vector<16xi32>
        %or3A_828 = arith.ori %or3A_820, %shift_left3A_827 : vector<16xi32>
        %add3A_829 = arith.constant 4 : i32
        %add3A_830 = vector.broadcast %add3A_829 : i32 to vector<16xi32>
        %add3A_831 = arith.addi %shift_right_arithmetic3A_280, %add3A_830 : vector<16xi32>
        %gather3A_832 = tpu.vector_load_idx %arg7[%add3A_831, %and3A_315] : memref<768x128xi32, #tpu.memory_space<vmem>>[vector<16xi32>, vector<16xi32>], vector<16xi32>,
        %shift_left3A_833 = arith.constant 5 : i32
        %shift_left3A_834 = vector.broadcast %shift_left3A_833 : i32 to vector<16xi32>
        %shift_left3A_835 = arith.shli %gather3A_832, %shift_left3A_834 : vector<16xi32>
        %or3A_836 = arith.ori %or3A_828, %shift_left3A_835 : vector<16xi32>
        %add3A_837 = arith.constant 4 : i32
        %add3A_838 = vector.broadcast %add3A_837 : i32 to vector<16xi32>
        %add3A_839 = arith.addi %shift_right_arithmetic3A_283, %add3A_838 : vector<16xi32>
        %gather3A_840 = tpu.vector_load_idx %arg7[%add3A_839, %and3A_318] : memref<768x128xi32, #tpu.memory_space<vmem>>[vector<16xi32>, vector<16xi32>], vector<16xi32>,
        %shift_left3A_841 = arith.constant 6 : i32
        %shift_left3A_842 = vector.broadcast %shift_left3A_841 : i32 to vector<16xi32>
        %shift_left3A_843 = arith.shli %gather3A_840, %shift_left3A_842 : vector<16xi32>
        %or3A_844 = arith.ori %or3A_836, %shift_left3A_843 : vector<16xi32>
        %add3A_845 = arith.constant 4 : i32
        %add3A_846 = vector.broadcast %add3A_845 : i32 to vector<16xi32>
        %add3A_847 = arith.addi %shift_right_arithmetic3A_286, %add3A_846 : vector<16xi32>
        %gather3A_848 = tpu.vector_load_idx %arg7[%add3A_847, %and3A_321] : memref<768x128xi32, #tpu.memory_space<vmem>>[vector<16xi32>, vector<16xi32>], vector<16xi32>,
        %shift_left3A_849 = arith.constant 7 : i32
        %shift_left3A_850 = vector.broadcast %shift_left3A_849 : i32 to vector<16xi32>
        %shift_left3A_851 = arith.shli %gather3A_848, %shift_left3A_850 : vector<16xi32>
        %or3A_852 = arith.ori %or3A_844, %shift_left3A_851 : vector<16xi32>
        %add3A_853 = arith.constant 4 : i32
        %add3A_854 = vector.broadcast %add3A_853 : i32 to vector<16xi32>
        %add3A_855 = arith.addi %shift_right_arithmetic3A_289, %add3A_854 : vector<16xi32>
        %gather3A_856 = tpu.vector_load_idx %arg7[%add3A_855, %and3A_324] : memref<768x128xi32, #tpu.memory_space<vmem>>[vector<16xi32>, vector<16xi32>], vector<16xi32>,
        %shift_left3A_857 = arith.constant 8 : i32
        %shift_left3A_858 = vector.broadcast %shift_left3A_857 : i32 to vector<16xi32>
        %shift_left3A_859 = arith.shli %gather3A_856, %shift_left3A_858 : vector<16xi32>
        %or3A_860 = arith.ori %or3A_852, %shift_left3A_859 : vector<16xi32>
        %add3A_861 = arith.constant 4 : i32
        %add3A_862 = vector.broadcast %add3A_861 : i32 to vector<16xi32>
        %add3A_863 = arith.addi %shift_right_arithmetic3A_292, %add3A_862 : vector<16xi32>
        %gather3A_864 = tpu.vector_load_idx %arg7[%add3A_863, %and3A_327] : memref<768x128xi32, #tpu.memory_space<vmem>>[vector<16xi32>, vector<16xi32>], vector<16xi32>,
        %shift_left3A_865 = arith.constant 9 : i32
        %shift_left3A_866 = vector.broadcast %shift_left3A_865 : i32 to vector<16xi32>
        %shift_left3A_867 = arith.shli %gather3A_864, %shift_left3A_866 : vector<16xi32>
        %or3A_868 = arith.ori %or3A_860, %shift_left3A_867 : vector<16xi32>
        %add3A_869 = arith.constant 4 : i32
        %add3A_870 = vector.broadcast %add3A_869 : i32 to vector<16xi32>
        %add3A_871 = arith.addi %shift_right_arithmetic3A_295, %add3A_870 : vector<16xi32>
        %gather3A_872 = tpu.vector_load_idx %arg7[%add3A_871, %and3A_330] : memref<768x128xi32, #tpu.memory_space<vmem>>[vector<16xi32>, vector<16xi32>], vector<16xi32>,
        %shift_left3A_873 = arith.constant 10 : i32
        %shift_left3A_874 = vector.broadcast %shift_left3A_873 : i32 to vector<16xi32>
        %shift_left3A_875 = arith.shli %gather3A_872, %shift_left3A_874 : vector<16xi32>
        %or3A_876 = arith.ori %or3A_868, %shift_left3A_875 : vector<16xi32>
        %add3A_877 = arith.constant 4 : i32
        %add3A_878 = vector.broadcast %add3A_877 : i32 to vector<16xi32>
        %add3A_879 = arith.addi %shift_right_arithmetic3A_298, %add3A_878 : vector<16xi32>
        %gather3A_880 = tpu.vector_load_idx %arg7[%add3A_879, %and3A_333] : memref<768x128xi32, #tpu.memory_space<vmem>>[vector<16xi32>, vector<16xi32>], vector<16xi32>,
        %shift_left3A_881 = arith.constant 11 : i32
        %shift_left3A_882 = vector.broadcast %shift_left3A_881 : i32 to vector<16xi32>
        %shift_left3A_883 = arith.shli %gather3A_880, %shift_left3A_882 : vector<16xi32>
        %or3A_884 = arith.ori %or3A_876, %shift_left3A_883 : vector<16xi32>
        %add3A_885 = arith.addi %or3A_884, %mul3A_5 : vector<16xi32>
        %mul3A_886 = arith.constant 65536 : i32
        %mul3A_887 = arith.muli %scan3A_191, %mul3A_886 : i32
        %add3A_888 = vector.broadcast %mul3A_887 : i32 to vector<16xi32>
        %add3A_889 = arith.addi %add3A_885, %add3A_888 : vector<16xi32>
        %shift_right_arithmetic3A_890 = arith.constant 3 : i32
        %shift_right_arithmetic3A_891 = arith.shrsi %scan3A_191, %shift_right_arithmetic3A_890 : i32
        %add3A_892 = arith.constant 32 : i32
        %add3A_893 = arith.addi %add3A_892, %shift_right_arithmetic3A_891 : i32
        %and3A_894 = arith.constant 7 : i32
        %and3A_895 = arith.andi %scan3A_191, %and3A_894 : i32
        %mul3A_896 = arith.constant 16 : i32
        %mul3A_897 = arith.muli %and3A_895, %mul3A_896 : i32
        %swap3A_898 = arith.index_cast %add3A_893 : i32 to index
        %swap3A_899 = arith.index_cast %mul3A_897 : i32 to index
        %swap3A_900 = tpu.vector_load %arg8[%swap3A_898, %swap3A_899] {strides = array<i32>} : memref<64x128xi32, #tpu.memory_space<vmem>>, vector<16xi32>,
        tpu.vector_store %arg8[%swap3A_898, %swap3A_899], %add3A_889 {strides = array<i32>} : memref<64x128xi32, #tpu.memory_space<vmem>>, vector<16xi32>,
        %broadcast_in_dim3A_901 = arith.constant 0 : i32
        %broadcast_in_dim3A_902 = vector.broadcast %broadcast_in_dim3A_901 : i32 to vector<16xi32>
        %add3A_903 = arith.constant 5 : i32
        %add3A_904 = vector.broadcast %add3A_903 : i32 to vector<16xi32>
        %add3A_905 = arith.addi %shift_right_arithmetic3A_265, %add3A_904 : vector<16xi32>
        %gather3A_906 = tpu.vector_load_idx %arg7[%add3A_905, %and3A_300] : memref<768x128xi32, #tpu.memory_space<vmem>>[vector<16xi32>, vector<16xi32>], vector<16xi32>,
        %shift_left3A_907 = arith.constant 0 : i32
        %shift_left3A_908 = vector.broadcast %shift_left3A_907 : i32 to vector<16xi32>
        %shift_left3A_909 = arith.shli %gather3A_906, %shift_left3A_908 : vector<16xi32>
        %or3A_910 = arith.ori %broadcast_in_dim3A_902, %shift_left3A_909 : vector<16xi32>
        %add3A_911 = arith.constant 5 : i32
        %add3A_912 = vector.broadcast %add3A_911 : i32 to vector<16xi32>
        %add3A_913 = arith.addi %shift_right_arithmetic3A_268, %add3A_912 : vector<16xi32>
        %gather3A_914 = tpu.vector_load_idx %arg7[%add3A_913, %and3A_303] : memref<768x128xi32, #tpu.memory_space<vmem>>[vector<16xi32>, vector<16xi32>], vector<16xi32>,
        %shift_left3A_915 = arith.constant 1 : i32
        %shift_left3A_916 = vector.broadcast %shift_left3A_915 : i32 to vector<16xi32>
        %shift_left3A_917 = arith.shli %gather3A_914, %shift_left3A_916 : vector<16xi32>
        %or3A_918 = arith.ori %or3A_910, %shift_left3A_917 : vector<16xi32>
        %add3A_919 = arith.constant 5 : i32
        %add3A_920 = vector.broadcast %add3A_919 : i32 to vector<16xi32>
        %add3A_921 = arith.addi %shift_right_arithmetic3A_271, %add3A_920 : vector<16xi32>
        %gather3A_922 = tpu.vector_load_idx %arg7[%add3A_921, %and3A_306] : memref<768x128xi32, #tpu.memory_space<vmem>>[vector<16xi32>, vector<16xi32>], vector<16xi32>,
        %shift_left3A_923 = arith.constant 2 : i32
        %shift_left3A_924 = vector.broadcast %shift_left3A_923 : i32 to vector<16xi32>
        %shift_left3A_925 = arith.shli %gather3A_922, %shift_left3A_924 : vector<16xi32>
        %or3A_926 = arith.ori %or3A_918, %shift_left3A_925 : vector<16xi32>
        %add3A_927 = arith.constant 5 : i32
        %add3A_928 = vector.broadcast %add3A_927 : i32 to vector<16xi32>
        %add3A_929 = arith.addi %shift_right_arithmetic3A_274, %add3A_928 : vector<16xi32>
        %gather3A_930 = tpu.vector_load_idx %arg7[%add3A_929, %and3A_309] : memref<768x128xi32, #tpu.memory_space<vmem>>[vector<16xi32>, vector<16xi32>], vector<16xi32>,
        %shift_left3A_931 = arith.constant 3 : i32
        %shift_left3A_932 = vector.broadcast %shift_left3A_931 : i32 to vector<16xi32>
        %shift_left3A_933 = arith.shli %gather3A_930, %shift_left3A_932 : vector<16xi32>
        %or3A_934 = arith.ori %or3A_926, %shift_left3A_933 : vector<16xi32>
        %add3A_935 = arith.constant 5 : i32
        %add3A_936 = vector.broadcast %add3A_935 : i32 to vector<16xi32>
        %add3A_937 = arith.addi %shift_right_arithmetic3A_277, %add3A_936 : vector<16xi32>
        %gather3A_938 = tpu.vector_load_idx %arg7[%add3A_937, %and3A_312] : memref<768x128xi32, #tpu.memory_space<vmem>>[vector<16xi32>, vector<16xi32>], vector<16xi32>,
        %shift_left3A_939 = arith.constant 4 : i32
        %shift_left3A_940 = vector.broadcast %shift_left3A_939 : i32 to vector<16xi32>
        %shift_left3A_941 = arith.shli %gather3A_938, %shift_left3A_940 : vector<16xi32>
        %or3A_942 = arith.ori %or3A_934, %shift_left3A_941 : vector<16xi32>
        %add3A_943 = arith.constant 5 : i32
        %add3A_944 = vector.broadcast %add3A_943 : i32 to vector<16xi32>
        %add3A_945 = arith.addi %shift_right_arithmetic3A_280, %add3A_944 : vector<16xi32>
        %gather3A_946 = tpu.vector_load_idx %arg7[%add3A_945, %and3A_315] : memref<768x128xi32, #tpu.memory_space<vmem>>[vector<16xi32>, vector<16xi32>], vector<16xi32>,
        %shift_left3A_947 = arith.constant 5 : i32
        %shift_left3A_948 = vector.broadcast %shift_left3A_947 : i32 to vector<16xi32>
        %shift_left3A_949 = arith.shli %gather3A_946, %shift_left3A_948 : vector<16xi32>
        %or3A_950 = arith.ori %or3A_942, %shift_left3A_949 : vector<16xi32>
        %add3A_951 = arith.constant 5 : i32
        %add3A_952 = vector.broadcast %add3A_951 : i32 to vector<16xi32>
        %add3A_953 = arith.addi %shift_right_arithmetic3A_283, %add3A_952 : vector<16xi32>
        %gather3A_954 = tpu.vector_load_idx %arg7[%add3A_953, %and3A_318] : memref<768x128xi32, #tpu.memory_space<vmem>>[vector<16xi32>, vector<16xi32>], vector<16xi32>,
        %shift_left3A_955 = arith.constant 6 : i32
        %shift_left3A_956 = vector.broadcast %shift_left3A_955 : i32 to vector<16xi32>
        %shift_left3A_957 = arith.shli %gather3A_954, %shift_left3A_956 : vector<16xi32>
        %or3A_958 = arith.ori %or3A_950, %shift_left3A_957 : vector<16xi32>
        %add3A_959 = arith.constant 5 : i32
        %add3A_960 = vector.broadcast %add3A_959 : i32 to vector<16xi32>
        %add3A_961 = arith.addi %shift_right_arithmetic3A_286, %add3A_960 : vector<16xi32>
        %gather3A_962 = tpu.vector_load_idx %arg7[%add3A_961, %and3A_321] : memref<768x128xi32, #tpu.memory_space<vmem>>[vector<16xi32>, vector<16xi32>], vector<16xi32>,
        %shift_left3A_963 = arith.constant 7 : i32
        %shift_left3A_964 = vector.broadcast %shift_left3A_963 : i32 to vector<16xi32>
        %shift_left3A_965 = arith.shli %gather3A_962, %shift_left3A_964 : vector<16xi32>
        %or3A_966 = arith.ori %or3A_958, %shift_left3A_965 : vector<16xi32>
        %add3A_967 = arith.constant 5 : i32
        %add3A_968 = vector.broadcast %add3A_967 : i32 to vector<16xi32>
        %add3A_969 = arith.addi %shift_right_arithmetic3A_289, %add3A_968 : vector<16xi32>
        %gather3A_970 = tpu.vector_load_idx %arg7[%add3A_969, %and3A_324] : memref<768x128xi32, #tpu.memory_space<vmem>>[vector<16xi32>, vector<16xi32>], vector<16xi32>,
        %shift_left3A_971 = arith.constant 8 : i32
        %shift_left3A_972 = vector.broadcast %shift_left3A_971 : i32 to vector<16xi32>
        %shift_left3A_973 = arith.shli %gather3A_970, %shift_left3A_972 : vector<16xi32>
        %or3A_974 = arith.ori %or3A_966, %shift_left3A_973 : vector<16xi32>
        %add3A_975 = arith.constant 5 : i32
        %add3A_976 = vector.broadcast %add3A_975 : i32 to vector<16xi32>
        %add3A_977 = arith.addi %shift_right_arithmetic3A_292, %add3A_976 : vector<16xi32>
        %gather3A_978 = tpu.vector_load_idx %arg7[%add3A_977, %and3A_327] : memref<768x128xi32, #tpu.memory_space<vmem>>[vector<16xi32>, vector<16xi32>], vector<16xi32>,
        %shift_left3A_979 = arith.constant 9 : i32
        %shift_left3A_980 = vector.broadcast %shift_left3A_979 : i32 to vector<16xi32>
        %shift_left3A_981 = arith.shli %gather3A_978, %shift_left3A_980 : vector<16xi32>
        %or3A_982 = arith.ori %or3A_974, %shift_left3A_981 : vector<16xi32>
        %add3A_983 = arith.constant 5 : i32
        %add3A_984 = vector.broadcast %add3A_983 : i32 to vector<16xi32>
        %add3A_985 = arith.addi %shift_right_arithmetic3A_295, %add3A_984 : vector<16xi32>
        %gather3A_986 = tpu.vector_load_idx %arg7[%add3A_985, %and3A_330] : memref<768x128xi32, #tpu.memory_space<vmem>>[vector<16xi32>, vector<16xi32>], vector<16xi32>,
        %shift_left3A_987 = arith.constant 10 : i32
        %shift_left3A_988 = vector.broadcast %shift_left3A_987 : i32 to vector<16xi32>
        %shift_left3A_989 = arith.shli %gather3A_986, %shift_left3A_988 : vector<16xi32>
        %or3A_990 = arith.ori %or3A_982, %shift_left3A_989 : vector<16xi32>
        %add3A_991 = arith.constant 5 : i32
        %add3A_992 = vector.broadcast %add3A_991 : i32 to vector<16xi32>
        %add3A_993 = arith.addi %shift_right_arithmetic3A_298, %add3A_992 : vector<16xi32>
        %gather3A_994 = tpu.vector_load_idx %arg7[%add3A_993, %and3A_333] : memref<768x128xi32, #tpu.memory_space<vmem>>[vector<16xi32>, vector<16xi32>], vector<16xi32>,
        %shift_left3A_995 = arith.constant 11 : i32
        %shift_left3A_996 = vector.broadcast %shift_left3A_995 : i32 to vector<16xi32>
        %shift_left3A_997 = arith.shli %gather3A_994, %shift_left3A_996 : vector<16xi32>
        %or3A_998 = arith.ori %or3A_990, %shift_left3A_997 : vector<16xi32>
        %add3A_999 = arith.addi %or3A_998, %mul3A_5 : vector<16xi32>
        %mul3A_1000 = arith.constant 65536 : i32
        %mul3A_1001 = arith.muli %scan3A_191, %mul3A_1000 : i32
        %add3A_1002 = vector.broadcast %mul3A_1001 : i32 to vector<16xi32>
        %add3A_1003 = arith.addi %add3A_999, %add3A_1002 : vector<16xi32>
        %shift_right_arithmetic3A_1004 = arith.constant 3 : i32
        %shift_right_arithmetic3A_1005 = arith.shrsi %scan3A_191, %shift_right_arithmetic3A_1004 : i32
        %add3A_1006 = arith.constant 40 : i32
        %add3A_1007 = arith.addi %add3A_1006, %shift_right_arithmetic3A_1005 : i32
        %and3A_1008 = arith.constant 7 : i32
        %and3A_1009 = arith.andi %scan3A_191, %and3A_1008 : i32
        %mul3A_1010 = arith.constant 16 : i32
        %mul3A_1011 = arith.muli %and3A_1009, %mul3A_1010 : i32
        %swap3A_1012 = arith.index_cast %add3A_1007 : i32 to index
        %swap3A_1013 = arith.index_cast %mul3A_1011 : i32 to index
        %swap3A_1014 = tpu.vector_load %arg8[%swap3A_1012, %swap3A_1013] {strides = array<i32>} : memref<64x128xi32, #tpu.memory_space<vmem>>, vector<16xi32>,
        tpu.vector_store %arg8[%swap3A_1012, %swap3A_1013], %add3A_1003 {strides = array<i32>} : memref<64x128xi32, #tpu.memory_space<vmem>>, vector<16xi32>,
        %broadcast_in_dim3A_1015 = arith.constant 0 : i32
        %broadcast_in_dim3A_1016 = vector.broadcast %broadcast_in_dim3A_1015 : i32 to vector<16xi32>
        %add3A_1017 = arith.constant 6 : i32
        %add3A_1018 = vector.broadcast %add3A_1017 : i32 to vector<16xi32>
        %add3A_1019 = arith.addi %shift_right_arithmetic3A_265, %add3A_1018 : vector<16xi32>
        %gather3A_1020 = tpu.vector_load_idx %arg7[%add3A_1019, %and3A_300] : memref<768x128xi32, #tpu.memory_space<vmem>>[vector<16xi32>, vector<16xi32>], vector<16xi32>,
        %shift_left3A_1021 = arith.constant 0 : i32
        %shift_left3A_1022 = vector.broadcast %shift_left3A_1021 : i32 to vector<16xi32>
        %shift_left3A_1023 = arith.shli %gather3A_1020, %shift_left3A_1022 : vector<16xi32>
        %or3A_1024 = arith.ori %broadcast_in_dim3A_1016, %shift_left3A_1023 : vector<16xi32>
        %add3A_1025 = arith.constant 6 : i32
        %add3A_1026 = vector.broadcast %add3A_1025 : i32 to vector<16xi32>
        %add3A_1027 = arith.addi %shift_right_arithmetic3A_268, %add3A_1026 : vector<16xi32>
        %gather3A_1028 = tpu.vector_load_idx %arg7[%add3A_1027, %and3A_303] : memref<768x128xi32, #tpu.memory_space<vmem>>[vector<16xi32>, vector<16xi32>], vector<16xi32>,
        %shift_left3A_1029 = arith.constant 1 : i32
        %shift_left3A_1030 = vector.broadcast %shift_left3A_1029 : i32 to vector<16xi32>
        %shift_left3A_1031 = arith.shli %gather3A_1028, %shift_left3A_1030 : vector<16xi32>
        %or3A_1032 = arith.ori %or3A_1024, %shift_left3A_1031 : vector<16xi32>
        %add3A_1033 = arith.constant 6 : i32
        %add3A_1034 = vector.broadcast %add3A_1033 : i32 to vector<16xi32>
        %add3A_1035 = arith.addi %shift_right_arithmetic3A_271, %add3A_1034 : vector<16xi32>
        %gather3A_1036 = tpu.vector_load_idx %arg7[%add3A_1035, %and3A_306] : memref<768x128xi32, #tpu.memory_space<vmem>>[vector<16xi32>, vector<16xi32>], vector<16xi32>,
        %shift_left3A_1037 = arith.constant 2 : i32
        %shift_left3A_1038 = vector.broadcast %shift_left3A_1037 : i32 to vector<16xi32>
        %shift_left3A_1039 = arith.shli %gather3A_1036, %shift_left3A_1038 : vector<16xi32>
        %or3A_1040 = arith.ori %or3A_1032, %shift_left3A_1039 : vector<16xi32>
        %add3A_1041 = arith.constant 6 : i32
        %add3A_1042 = vector.broadcast %add3A_1041 : i32 to vector<16xi32>
        %add3A_1043 = arith.addi %shift_right_arithmetic3A_274, %add3A_1042 : vector<16xi32>
        %gather3A_1044 = tpu.vector_load_idx %arg7[%add3A_1043, %and3A_309] : memref<768x128xi32, #tpu.memory_space<vmem>>[vector<16xi32>, vector<16xi32>], vector<16xi32>,
        %shift_left3A_1045 = arith.constant 3 : i32
        %shift_left3A_1046 = vector.broadcast %shift_left3A_1045 : i32 to vector<16xi32>
        %shift_left3A_1047 = arith.shli %gather3A_1044, %shift_left3A_1046 : vector<16xi32>
        %or3A_1048 = arith.ori %or3A_1040, %shift_left3A_1047 : vector<16xi32>
        %add3A_1049 = arith.constant 6 : i32
        %add3A_1050 = vector.broadcast %add3A_1049 : i32 to vector<16xi32>
        %add3A_1051 = arith.addi %shift_right_arithmetic3A_277, %add3A_1050 : vector<16xi32>
        %gather3A_1052 = tpu.vector_load_idx %arg7[%add3A_1051, %and3A_312] : memref<768x128xi32, #tpu.memory_space<vmem>>[vector<16xi32>, vector<16xi32>], vector<16xi32>,
        %shift_left3A_1053 = arith.constant 4 : i32
        %shift_left3A_1054 = vector.broadcast %shift_left3A_1053 : i32 to vector<16xi32>
        %shift_left3A_1055 = arith.shli %gather3A_1052, %shift_left3A_1054 : vector<16xi32>
        %or3A_1056 = arith.ori %or3A_1048, %shift_left3A_1055 : vector<16xi32>
        %add3A_1057 = arith.constant 6 : i32
        %add3A_1058 = vector.broadcast %add3A_1057 : i32 to vector<16xi32>
        %add3A_1059 = arith.addi %shift_right_arithmetic3A_280, %add3A_1058 : vector<16xi32>
        %gather3A_1060 = tpu.vector_load_idx %arg7[%add3A_1059, %and3A_315] : memref<768x128xi32, #tpu.memory_space<vmem>>[vector<16xi32>, vector<16xi32>], vector<16xi32>,
        %shift_left3A_1061 = arith.constant 5 : i32
        %shift_left3A_1062 = vector.broadcast %shift_left3A_1061 : i32 to vector<16xi32>
        %shift_left3A_1063 = arith.shli %gather3A_1060, %shift_left3A_1062 : vector<16xi32>
        %or3A_1064 = arith.ori %or3A_1056, %shift_left3A_1063 : vector<16xi32>
        %add3A_1065 = arith.constant 6 : i32
        %add3A_1066 = vector.broadcast %add3A_1065 : i32 to vector<16xi32>
        %add3A_1067 = arith.addi %shift_right_arithmetic3A_283, %add3A_1066 : vector<16xi32>
        %gather3A_1068 = tpu.vector_load_idx %arg7[%add3A_1067, %and3A_318] : memref<768x128xi32, #tpu.memory_space<vmem>>[vector<16xi32>, vector<16xi32>], vector<16xi32>,
        %shift_left3A_1069 = arith.constant 6 : i32
        %shift_left3A_1070 = vector.broadcast %shift_left3A_1069 : i32 to vector<16xi32>
        %shift_left3A_1071 = arith.shli %gather3A_1068, %shift_left3A_1070 : vector<16xi32>
        %or3A_1072 = arith.ori %or3A_1064, %shift_left3A_1071 : vector<16xi32>
        %add3A_1073 = arith.constant 6 : i32
        %add3A_1074 = vector.broadcast %add3A_1073 : i32 to vector<16xi32>
        %add3A_1075 = arith.addi %shift_right_arithmetic3A_286, %add3A_1074 : vector<16xi32>
        %gather3A_1076 = tpu.vector_load_idx %arg7[%add3A_1075, %and3A_321] : memref<768x128xi32, #tpu.memory_space<vmem>>[vector<16xi32>, vector<16xi32>], vector<16xi32>,
        %shift_left3A_1077 = arith.constant 7 : i32
        %shift_left3A_1078 = vector.broadcast %shift_left3A_1077 : i32 to vector<16xi32>
        %shift_left3A_1079 = arith.shli %gather3A_1076, %shift_left3A_1078 : vector<16xi32>
        %or3A_1080 = arith.ori %or3A_1072, %shift_left3A_1079 : vector<16xi32>
        %add3A_1081 = arith.constant 6 : i32
        %add3A_1082 = vector.broadcast %add3A_1081 : i32 to vector<16xi32>
        %add3A_1083 = arith.addi %shift_right_arithmetic3A_289, %add3A_1082 : vector<16xi32>
        %gather3A_1084 = tpu.vector_load_idx %arg7[%add3A_1083, %and3A_324] : memref<768x128xi32, #tpu.memory_space<vmem>>[vector<16xi32>, vector<16xi32>], vector<16xi32>,
        %shift_left3A_1085 = arith.constant 8 : i32
        %shift_left3A_1086 = vector.broadcast %shift_left3A_1085 : i32 to vector<16xi32>
        %shift_left3A_1087 = arith.shli %gather3A_1084, %shift_left3A_1086 : vector<16xi32>
        %or3A_1088 = arith.ori %or3A_1080, %shift_left3A_1087 : vector<16xi32>
        %add3A_1089 = arith.constant 6 : i32
        %add3A_1090 = vector.broadcast %add3A_1089 : i32 to vector<16xi32>
        %add3A_1091 = arith.addi %shift_right_arithmetic3A_292, %add3A_1090 : vector<16xi32>
        %gather3A_1092 = tpu.vector_load_idx %arg7[%add3A_1091, %and3A_327] : memref<768x128xi32, #tpu.memory_space<vmem>>[vector<16xi32>, vector<16xi32>], vector<16xi32>,
        %shift_left3A_1093 = arith.constant 9 : i32
        %shift_left3A_1094 = vector.broadcast %shift_left3A_1093 : i32 to vector<16xi32>
        %shift_left3A_1095 = arith.shli %gather3A_1092, %shift_left3A_1094 : vector<16xi32>
        %or3A_1096 = arith.ori %or3A_1088, %shift_left3A_1095 : vector<16xi32>
        %add3A_1097 = arith.constant 6 : i32
        %add3A_1098 = vector.broadcast %add3A_1097 : i32 to vector<16xi32>
        %add3A_1099 = arith.addi %shift_right_arithmetic3A_295, %add3A_1098 : vector<16xi32>
        %gather3A_1100 = tpu.vector_load_idx %arg7[%add3A_1099, %and3A_330] : memref<768x128xi32, #tpu.memory_space<vmem>>[vector<16xi32>, vector<16xi32>], vector<16xi32>,
        %shift_left3A_1101 = arith.constant 10 : i32
        %shift_left3A_1102 = vector.broadcast %shift_left3A_1101 : i32 to vector<16xi32>
        %shift_left3A_1103 = arith.shli %gather3A_1100, %shift_left3A_1102 : vector<16xi32>
        %or3A_1104 = arith.ori %or3A_1096, %shift_left3A_1103 : vector<16xi32>
        %add3A_1105 = arith.constant 6 : i32
        %add3A_1106 = vector.broadcast %add3A_1105 : i32 to vector<16xi32>
        %add3A_1107 = arith.addi %shift_right_arithmetic3A_298, %add3A_1106 : vector<16xi32>
        %gather3A_1108 = tpu.vector_load_idx %arg7[%add3A_1107, %and3A_333] : memref<768x128xi32, #tpu.memory_space<vmem>>[vector<16xi32>, vector<16xi32>], vector<16xi32>,
        %shift_left3A_1109 = arith.constant 11 : i32
        %shift_left3A_1110 = vector.broadcast %shift_left3A_1109 : i32 to vector<16xi32>
        %shift_left3A_1111 = arith.shli %gather3A_1108, %shift_left3A_1110 : vector<16xi32>
        %or3A_1112 = arith.ori %or3A_1104, %shift_left3A_1111 : vector<16xi32>
        %add3A_1113 = arith.addi %or3A_1112, %mul3A_5 : vector<16xi32>
        %mul3A_1114 = arith.constant 65536 : i32
        %mul3A_1115 = arith.muli %scan3A_191, %mul3A_1114 : i32
        %add3A_1116 = vector.broadcast %mul3A_1115 : i32 to vector<16xi32>
        %add3A_1117 = arith.addi %add3A_1113, %add3A_1116 : vector<16xi32>
        %shift_right_arithmetic3A_1118 = arith.constant 3 : i32
        %shift_right_arithmetic3A_1119 = arith.shrsi %scan3A_191, %shift_right_arithmetic3A_1118 : i32
        %add3A_1120 = arith.constant 48 : i32
        %add3A_1121 = arith.addi %add3A_1120, %shift_right_arithmetic3A_1119 : i32
        %and3A_1122 = arith.constant 7 : i32
        %and3A_1123 = arith.andi %scan3A_191, %and3A_1122 : i32
        %mul3A_1124 = arith.constant 16 : i32
        %mul3A_1125 = arith.muli %and3A_1123, %mul3A_1124 : i32
        %swap3A_1126 = arith.index_cast %add3A_1121 : i32 to index
        %swap3A_1127 = arith.index_cast %mul3A_1125 : i32 to index
        %swap3A_1128 = tpu.vector_load %arg8[%swap3A_1126, %swap3A_1127] {strides = array<i32>} : memref<64x128xi32, #tpu.memory_space<vmem>>, vector<16xi32>,
        tpu.vector_store %arg8[%swap3A_1126, %swap3A_1127], %add3A_1117 {strides = array<i32>} : memref<64x128xi32, #tpu.memory_space<vmem>>, vector<16xi32>,
        %broadcast_in_dim3A_1129 = arith.constant 0 : i32
        %broadcast_in_dim3A_1130 = vector.broadcast %broadcast_in_dim3A_1129 : i32 to vector<16xi32>
        %add3A_1131 = arith.constant 7 : i32
        %add3A_1132 = vector.broadcast %add3A_1131 : i32 to vector<16xi32>
        %add3A_1133 = arith.addi %shift_right_arithmetic3A_265, %add3A_1132 : vector<16xi32>
        %gather3A_1134 = tpu.vector_load_idx %arg7[%add3A_1133, %and3A_300] : memref<768x128xi32, #tpu.memory_space<vmem>>[vector<16xi32>, vector<16xi32>], vector<16xi32>,
        %shift_left3A_1135 = arith.constant 0 : i32
        %shift_left3A_1136 = vector.broadcast %shift_left3A_1135 : i32 to vector<16xi32>
        %shift_left3A_1137 = arith.shli %gather3A_1134, %shift_left3A_1136 : vector<16xi32>
        %or3A_1138 = arith.ori %broadcast_in_dim3A_1130, %shift_left3A_1137 : vector<16xi32>
        %add3A_1139 = arith.constant 7 : i32
        %add3A_1140 = vector.broadcast %add3A_1139 : i32 to vector<16xi32>
        %add3A_1141 = arith.addi %shift_right_arithmetic3A_268, %add3A_1140 : vector<16xi32>
        %gather3A_1142 = tpu.vector_load_idx %arg7[%add3A_1141, %and3A_303] : memref<768x128xi32, #tpu.memory_space<vmem>>[vector<16xi32>, vector<16xi32>], vector<16xi32>,
        %shift_left3A_1143 = arith.constant 1 : i32
        %shift_left3A_1144 = vector.broadcast %shift_left3A_1143 : i32 to vector<16xi32>
        %shift_left3A_1145 = arith.shli %gather3A_1142, %shift_left3A_1144 : vector<16xi32>
        %or3A_1146 = arith.ori %or3A_1138, %shift_left3A_1145 : vector<16xi32>
        %add3A_1147 = arith.constant 7 : i32
        %add3A_1148 = vector.broadcast %add3A_1147 : i32 to vector<16xi32>
        %add3A_1149 = arith.addi %shift_right_arithmetic3A_271, %add3A_1148 : vector<16xi32>
        %gather3A_1150 = tpu.vector_load_idx %arg7[%add3A_1149, %and3A_306] : memref<768x128xi32, #tpu.memory_space<vmem>>[vector<16xi32>, vector<16xi32>], vector<16xi32>,
        %shift_left3A_1151 = arith.constant 2 : i32
        %shift_left3A_1152 = vector.broadcast %shift_left3A_1151 : i32 to vector<16xi32>
        %shift_left3A_1153 = arith.shli %gather3A_1150, %shift_left3A_1152 : vector<16xi32>
        %or3A_1154 = arith.ori %or3A_1146, %shift_left3A_1153 : vector<16xi32>
        %add3A_1155 = arith.constant 7 : i32
        %add3A_1156 = vector.broadcast %add3A_1155 : i32 to vector<16xi32>
        %add3A_1157 = arith.addi %shift_right_arithmetic3A_274, %add3A_1156 : vector<16xi32>
        %gather3A_1158 = tpu.vector_load_idx %arg7[%add3A_1157, %and3A_309] : memref<768x128xi32, #tpu.memory_space<vmem>>[vector<16xi32>, vector<16xi32>], vector<16xi32>,
        %shift_left3A_1159 = arith.constant 3 : i32
        %shift_left3A_1160 = vector.broadcast %shift_left3A_1159 : i32 to vector<16xi32>
        %shift_left3A_1161 = arith.shli %gather3A_1158, %shift_left3A_1160 : vector<16xi32>
        %or3A_1162 = arith.ori %or3A_1154, %shift_left3A_1161 : vector<16xi32>
        %add3A_1163 = arith.constant 7 : i32
        %add3A_1164 = vector.broadcast %add3A_1163 : i32 to vector<16xi32>
        %add3A_1165 = arith.addi %shift_right_arithmetic3A_277, %add3A_1164 : vector<16xi32>
        %gather3A_1166 = tpu.vector_load_idx %arg7[%add3A_1165, %and3A_312] : memref<768x128xi32, #tpu.memory_space<vmem>>[vector<16xi32>, vector<16xi32>], vector<16xi32>,
        %shift_left3A_1167 = arith.constant 4 : i32
        %shift_left3A_1168 = vector.broadcast %shift_left3A_1167 : i32 to vector<16xi32>
        %shift_left3A_1169 = arith.shli %gather3A_1166, %shift_left3A_1168 : vector<16xi32>
        %or3A_1170 = arith.ori %or3A_1162, %shift_left3A_1169 : vector<16xi32>
        %add3A_1171 = arith.constant 7 : i32
        %add3A_1172 = vector.broadcast %add3A_1171 : i32 to vector<16xi32>
        %add3A_1173 = arith.addi %shift_right_arithmetic3A_280, %add3A_1172 : vector<16xi32>
        %gather3A_1174 = tpu.vector_load_idx %arg7[%add3A_1173, %and3A_315] : memref<768x128xi32, #tpu.memory_space<vmem>>[vector<16xi32>, vector<16xi32>], vector<16xi32>,
        %shift_left3A_1175 = arith.constant 5 : i32
        %shift_left3A_1176 = vector.broadcast %shift_left3A_1175 : i32 to vector<16xi32>
        %shift_left3A_1177 = arith.shli %gather3A_1174, %shift_left3A_1176 : vector<16xi32>
        %or3A_1178 = arith.ori %or3A_1170, %shift_left3A_1177 : vector<16xi32>
        %add3A_1179 = arith.constant 7 : i32
        %add3A_1180 = vector.broadcast %add3A_1179 : i32 to vector<16xi32>
        %add3A_1181 = arith.addi %shift_right_arithmetic3A_283, %add3A_1180 : vector<16xi32>
        %gather3A_1182 = tpu.vector_load_idx %arg7[%add3A_1181, %and3A_318] : memref<768x128xi32, #tpu.memory_space<vmem>>[vector<16xi32>, vector<16xi32>], vector<16xi32>,
        %shift_left3A_1183 = arith.constant 6 : i32
        %shift_left3A_1184 = vector.broadcast %shift_left3A_1183 : i32 to vector<16xi32>
        %shift_left3A_1185 = arith.shli %gather3A_1182, %shift_left3A_1184 : vector<16xi32>
        %or3A_1186 = arith.ori %or3A_1178, %shift_left3A_1185 : vector<16xi32>
        %add3A_1187 = arith.constant 7 : i32
        %add3A_1188 = vector.broadcast %add3A_1187 : i32 to vector<16xi32>
        %add3A_1189 = arith.addi %shift_right_arithmetic3A_286, %add3A_1188 : vector<16xi32>
        %gather3A_1190 = tpu.vector_load_idx %arg7[%add3A_1189, %and3A_321] : memref<768x128xi32, #tpu.memory_space<vmem>>[vector<16xi32>, vector<16xi32>], vector<16xi32>,
        %shift_left3A_1191 = arith.constant 7 : i32
        %shift_left3A_1192 = vector.broadcast %shift_left3A_1191 : i32 to vector<16xi32>
        %shift_left3A_1193 = arith.shli %gather3A_1190, %shift_left3A_1192 : vector<16xi32>
        %or3A_1194 = arith.ori %or3A_1186, %shift_left3A_1193 : vector<16xi32>
        %add3A_1195 = arith.constant 7 : i32
        %add3A_1196 = vector.broadcast %add3A_1195 : i32 to vector<16xi32>
        %add3A_1197 = arith.addi %shift_right_arithmetic3A_289, %add3A_1196 : vector<16xi32>
        %gather3A_1198 = tpu.vector_load_idx %arg7[%add3A_1197, %and3A_324] : memref<768x128xi32, #tpu.memory_space<vmem>>[vector<16xi32>, vector<16xi32>], vector<16xi32>,
        %shift_left3A_1199 = arith.constant 8 : i32
        %shift_left3A_1200 = vector.broadcast %shift_left3A_1199 : i32 to vector<16xi32>
        %shift_left3A_1201 = arith.shli %gather3A_1198, %shift_left3A_1200 : vector<16xi32>
        %or3A_1202 = arith.ori %or3A_1194, %shift_left3A_1201 : vector<16xi32>
        %add3A_1203 = arith.constant 7 : i32
        %add3A_1204 = vector.broadcast %add3A_1203 : i32 to vector<16xi32>
        %add3A_1205 = arith.addi %shift_right_arithmetic3A_292, %add3A_1204 : vector<16xi32>
        %gather3A_1206 = tpu.vector_load_idx %arg7[%add3A_1205, %and3A_327] : memref<768x128xi32, #tpu.memory_space<vmem>>[vector<16xi32>, vector<16xi32>], vector<16xi32>,
        %shift_left3A_1207 = arith.constant 9 : i32
        %shift_left3A_1208 = vector.broadcast %shift_left3A_1207 : i32 to vector<16xi32>
        %shift_left3A_1209 = arith.shli %gather3A_1206, %shift_left3A_1208 : vector<16xi32>
        %or3A_1210 = arith.ori %or3A_1202, %shift_left3A_1209 : vector<16xi32>
        %add3A_1211 = arith.constant 7 : i32
        %add3A_1212 = vector.broadcast %add3A_1211 : i32 to vector<16xi32>
        %add3A_1213 = arith.addi %shift_right_arithmetic3A_295, %add3A_1212 : vector<16xi32>
        %gather3A_1214 = tpu.vector_load_idx %arg7[%add3A_1213, %and3A_330] : memref<768x128xi32, #tpu.memory_space<vmem>>[vector<16xi32>, vector<16xi32>], vector<16xi32>,
        %shift_left3A_1215 = arith.constant 10 : i32
        %shift_left3A_1216 = vector.broadcast %shift_left3A_1215 : i32 to vector<16xi32>
        %shift_left3A_1217 = arith.shli %gather3A_1214, %shift_left3A_1216 : vector<16xi32>
        %or3A_1218 = arith.ori %or3A_1210, %shift_left3A_1217 : vector<16xi32>
        %add3A_1219 = arith.constant 7 : i32
        %add3A_1220 = vector.broadcast %add3A_1219 : i32 to vector<16xi32>
        %add3A_1221 = arith.addi %shift_right_arithmetic3A_298, %add3A_1220 : vector<16xi32>
        %gather3A_1222 = tpu.vector_load_idx %arg7[%add3A_1221, %and3A_333] : memref<768x128xi32, #tpu.memory_space<vmem>>[vector<16xi32>, vector<16xi32>], vector<16xi32>,
        %shift_left3A_1223 = arith.constant 11 : i32
        %shift_left3A_1224 = vector.broadcast %shift_left3A_1223 : i32 to vector<16xi32>
        %shift_left3A_1225 = arith.shli %gather3A_1222, %shift_left3A_1224 : vector<16xi32>
        %or3A_1226 = arith.ori %or3A_1218, %shift_left3A_1225 : vector<16xi32>
        %add3A_1227 = arith.addi %or3A_1226, %mul3A_5 : vector<16xi32>
        %mul3A_1228 = arith.constant 65536 : i32
        %mul3A_1229 = arith.muli %scan3A_191, %mul3A_1228 : i32
        %add3A_1230 = vector.broadcast %mul3A_1229 : i32 to vector<16xi32>
        %add3A_1231 = arith.addi %add3A_1227, %add3A_1230 : vector<16xi32>
        %shift_right_arithmetic3A_1232 = arith.constant 3 : i32
        %shift_right_arithmetic3A_1233 = arith.shrsi %scan3A_191, %shift_right_arithmetic3A_1232 : i32
        %add3A_1234 = arith.constant 56 : i32
        %add3A_1235 = arith.addi %add3A_1234, %shift_right_arithmetic3A_1233 : i32
        %and3A_1236 = arith.constant 7 : i32
        %and3A_1237 = arith.andi %scan3A_191, %and3A_1236 : i32
        %mul3A_1238 = arith.constant 16 : i32
        %mul3A_1239 = arith.muli %and3A_1237, %mul3A_1238 : i32
        %swap3A_1240 = arith.index_cast %add3A_1235 : i32 to index
        %swap3A_1241 = arith.index_cast %mul3A_1239 : i32 to index
        %swap3A_1242 = tpu.vector_load %arg8[%swap3A_1240, %swap3A_1241] {strides = array<i32>} : memref<64x128xi32, #tpu.memory_space<vmem>>, vector<16xi32>,
        tpu.vector_store %arg8[%swap3A_1240, %swap3A_1241], %add3A_1231 {strides = array<i32>} : memref<64x128xi32, #tpu.memory_space<vmem>>, vector<16xi32>,
      }
      %scan3A_35 = arith.constant 64 : i32
      %add3A_36 = arith.constant 1 : i32
      %add3A_37 = arith.addi %scan3A_21, %add3A_36 : i32
      %lt3A = arith.constant 16 : i32
      %lt3A_38 = arith.cmpi slt, %add3A_37, %lt3A : i32
      %convert_element_type3A = arith.extui %lt3A_38 : i1 to i32
      %cond3A = arith.constant 0 : i32
      %cond3A_39 = arith.cmpi ne, %convert_element_type3A, %cond3A : i32
      scf.if %cond3A_39 {
        %add3A_191 = arith.constant 1 : i32
        %add3A_192 = arith.addi %scan3A_21, %add3A_191 : i32
        %add3A_193 = arith.addi %mul3A_2, %add3A_192 : i32
        %min3A_194 = arith.constant 511 : i32
        %min3A_195 = arith.minsi %add3A_193, %min3A_194 : i32
        %mul3A_196 = arith.constant 768 : i32
        %mul3A_197 = arith.muli %min3A_195, %mul3A_196 : i32
        %dma_start3A_198 = arith.constant 0 : i32
        %dma_start3A_199 = tpu.memref_slice %arg2[%mul3A_197, %dma_start3A_198] : memref<393216x128xi32, #tpu.memory_space<hbm>> -> memref<768x128xi32, #tpu.memory_space<hbm>>
        %dma_start3A_200 = arith.constant 0 : i32
        %dma_start3A_201 = tpu.memref_slice %arg2[%mul3A_197, %dma_start3A_200] : memref<393216x128xi32, #tpu.memory_space<hbm>> -> memref<768x128xi32, #tpu.memory_space<hbm>>
        tpu.enqueue_dma source(%dma_start3A_201 : memref<768x128xi32, #tpu.memory_space<hbm>>) target(%arg7 : memref<768x128xi32, #tpu.memory_space<vmem>>) target_semaphore(%arg11 : memref<!tpu.dma_semaphore, #tpu.memory_space<semaphore_mem>>)
      } else {
      }
      %broadcast_in_dim3A = arith.constant 0.000000e+00 : f32
      %broadcast_in_dim3A_40 = vector.broadcast %broadcast_in_dim3A : f32 to vector<16xf32>
      %swap3A = arith.index_cast %scan3A_21 : i32 to index
      %swap3A_41 = arith.constant 0 : index
      %swap3A_42 = tpu.vector_load %arg10[%swap3A, %swap3A_41] {strides = array<i32>} : memref<16x128xf32, #tpu.memory_space<vmem>>, vector<16xf32>,
      tpu.vector_store %arg10[%swap3A, %swap3A_41], %broadcast_in_dim3A_40 {strides = array<i32>} : memref<16x128xf32, #tpu.memory_space<vmem>>, vector<16xf32>,
      %broadcast_in_dim3A_43 = arith.constant 0.000000e+00 : f32
      %broadcast_in_dim3A_44 = vector.broadcast %broadcast_in_dim3A_43 : f32 to vector<16xf32>
      %swap3A_45 = arith.index_cast %scan3A_21 : i32 to index
      %swap3A_46 = arith.constant 16 : index
      %swap3A_47 = tpu.vector_load %arg10[%swap3A_45, %swap3A_46] {strides = array<i32>} : memref<16x128xf32, #tpu.memory_space<vmem>>, vector<16xf32>,
      tpu.vector_store %arg10[%swap3A_45, %swap3A_46], %broadcast_in_dim3A_44 {strides = array<i32>} : memref<16x128xf32, #tpu.memory_space<vmem>>, vector<16xf32>,
      %broadcast_in_dim3A_48 = arith.constant 0.000000e+00 : f32
      %broadcast_in_dim3A_49 = vector.broadcast %broadcast_in_dim3A_48 : f32 to vector<16xf32>
      %swap3A_50 = arith.index_cast %scan3A_21 : i32 to index
      %swap3A_51 = arith.constant 32 : index
      %swap3A_52 = tpu.vector_load %arg10[%swap3A_50, %swap3A_51] {strides = array<i32>} : memref<16x128xf32, #tpu.memory_space<vmem>>, vector<16xf32>,
      tpu.vector_store %arg10[%swap3A_50, %swap3A_51], %broadcast_in_dim3A_49 {strides = array<i32>} : memref<16x128xf32, #tpu.memory_space<vmem>>, vector<16xf32>,
      %broadcast_in_dim3A_53 = arith.constant 0.000000e+00 : f32
      %broadcast_in_dim3A_54 = vector.broadcast %broadcast_in_dim3A_53 : f32 to vector<16xf32>
      %swap3A_55 = arith.index_cast %scan3A_21 : i32 to index
      %swap3A_56 = arith.constant 48 : index
      %swap3A_57 = tpu.vector_load %arg10[%swap3A_55, %swap3A_56] {strides = array<i32>} : memref<16x128xf32, #tpu.memory_space<vmem>>, vector<16xf32>,
      tpu.vector_store %arg10[%swap3A_55, %swap3A_56], %broadcast_in_dim3A_54 {strides = array<i32>} : memref<16x128xf32, #tpu.memory_space<vmem>>, vector<16xf32>,
      %broadcast_in_dim3A_58 = arith.constant 0.000000e+00 : f32
      %broadcast_in_dim3A_59 = vector.broadcast %broadcast_in_dim3A_58 : f32 to vector<16xf32>
      %swap3A_60 = arith.index_cast %scan3A_21 : i32 to index
      %swap3A_61 = arith.constant 64 : index
      %swap3A_62 = tpu.vector_load %arg10[%swap3A_60, %swap3A_61] {strides = array<i32>} : memref<16x128xf32, #tpu.memory_space<vmem>>, vector<16xf32>,
      tpu.vector_store %arg10[%swap3A_60, %swap3A_61], %broadcast_in_dim3A_59 {strides = array<i32>} : memref<16x128xf32, #tpu.memory_space<vmem>>, vector<16xf32>,
      %broadcast_in_dim3A_63 = arith.constant 0.000000e+00 : f32
      %broadcast_in_dim3A_64 = vector.broadcast %broadcast_in_dim3A_63 : f32 to vector<16xf32>
      %swap3A_65 = arith.index_cast %scan3A_21 : i32 to index
      %swap3A_66 = arith.constant 80 : index
      %swap3A_67 = tpu.vector_load %arg10[%swap3A_65, %swap3A_66] {strides = array<i32>} : memref<16x128xf32, #tpu.memory_space<vmem>>, vector<16xf32>,
      tpu.vector_store %arg10[%swap3A_65, %swap3A_66], %broadcast_in_dim3A_64 {strides = array<i32>} : memref<16x128xf32, #tpu.memory_space<vmem>>, vector<16xf32>,
      %broadcast_in_dim3A_68 = arith.constant 0.000000e+00 : f32
      %broadcast_in_dim3A_69 = vector.broadcast %broadcast_in_dim3A_68 : f32 to vector<16xf32>
      %swap3A_70 = arith.index_cast %scan3A_21 : i32 to index
      %swap3A_71 = arith.constant 96 : index
      %swap3A_72 = tpu.vector_load %arg10[%swap3A_70, %swap3A_71] {strides = array<i32>} : memref<16x128xf32, #tpu.memory_space<vmem>>, vector<16xf32>,
      tpu.vector_store %arg10[%swap3A_70, %swap3A_71], %broadcast_in_dim3A_69 {strides = array<i32>} : memref<16x128xf32, #tpu.memory_space<vmem>>, vector<16xf32>,
      %broadcast_in_dim3A_73 = arith.constant 0.000000e+00 : f32
      %broadcast_in_dim3A_74 = vector.broadcast %broadcast_in_dim3A_73 : f32 to vector<16xf32>
      %swap3A_75 = arith.index_cast %scan3A_21 : i32 to index
      %swap3A_76 = arith.constant 112 : index
      %swap3A_77 = tpu.vector_load %arg10[%swap3A_75, %swap3A_76] {strides = array<i32>} : memref<16x128xf32, #tpu.memory_space<vmem>>, vector<16xf32>,
      tpu.vector_store %arg10[%swap3A_75, %swap3A_76], %broadcast_in_dim3A_74 {strides = array<i32>} : memref<16x128xf32, #tpu.memory_space<vmem>>, vector<16xf32>,
      %dma_start3A_78 = arith.constant 0 : i32
      %dma_start3A_79 = arith.constant 0 : i32
      %dma_start3A_80 = arith.constant 0 : i32
      %dma_start3A_81 = arith.constant 0 : i32
      %dma_start3A_82 = tpu.memref_slice %arg9[%dma_start3A_79, %dma_start3A_80, %dma_start3A_81] : memref<4x128x16xf32, #tpu.memory_space<vmem>> -> memref<1x128x16xf32, #tpu.memory_space<vmem>>
      %dma_start3A_83 = tpu.memref_squeeze %dma_start3A_82 : memref<1x128x16xf32, #tpu.memory_space<vmem>> -> memref<128x16xf32, #tpu.memory_space<vmem>>
      %dma_start3A_84 = arith.constant 0 : i32
      %dma_start3A_85 = tpu.memref_slice %arg8[%dma_start3A_78, %dma_start3A_84] : memref<64x128xi32, #tpu.memory_space<vmem>> -> memref<1x128xi32, #tpu.memory_space<vmem>>
      %dma_start3A_86 = tpu.memref_squeeze %dma_start3A_85 : memref<1x128xi32, #tpu.memory_space<vmem>> -> memref<128xi32, #tpu.memory_space<vmem>>
      %dma_start3A_87 = arith.constant 0 : i32
      %dma_start3A_88 = arith.constant 0 : i32
      %dma_start3A_89 = tpu.memref_slice %arg4[%dma_start3A_87, %dma_start3A_88] : memref<4194304x16xf32, #tpu.memory_space<hbm>> -> memref<4194304x16xf32, #tpu.memory_space<hbm>>
      tpu.enqueue_indirect_dma source(%dma_start3A_89 : memref<4194304x16xf32, #tpu.memory_space<hbm>>) target(%dma_start3A_83 : memref<128x16xf32, #tpu.memory_space<vmem>>) offsets(%dma_start3A_86 : memref<128xi32, #tpu.memory_space<vmem>>) semaphore(%arg12 : memref<!tpu.dma_semaphore, #tpu.memory_space<semaphore_mem>>)
      %dma_start3A_90 = arith.constant 1 : i32
      %dma_start3A_91 = arith.constant 1 : i32
      %dma_start3A_92 = arith.constant 0 : i32
      %dma_start3A_93 = arith.constant 0 : i32
      %dma_start3A_94 = tpu.memref_slice %arg9[%dma_start3A_91, %dma_start3A_92, %dma_start3A_93] : memref<4x128x16xf32, #tpu.memory_space<vmem>> -> memref<1x128x16xf32, #tpu.memory_space<vmem>>
      %dma_start3A_95 = tpu.memref_squeeze %dma_start3A_94 : memref<1x128x16xf32, #tpu.memory_space<vmem>> -> memref<128x16xf32, #tpu.memory_space<vmem>>
      %dma_start3A_96 = arith.constant 0 : i32
      %dma_start3A_97 = tpu.memref_slice %arg8[%dma_start3A_90, %dma_start3A_96] : memref<64x128xi32, #tpu.memory_space<vmem>> -> memref<1x128xi32, #tpu.memory_space<vmem>>
      %dma_start3A_98 = tpu.memref_squeeze %dma_start3A_97 : memref<1x128xi32, #tpu.memory_space<vmem>> -> memref<128xi32, #tpu.memory_space<vmem>>
      %dma_start3A_99 = arith.constant 0 : i32
      %dma_start3A_100 = arith.constant 0 : i32
      %dma_start3A_101 = tpu.memref_slice %arg4[%dma_start3A_99, %dma_start3A_100] : memref<4194304x16xf32, #tpu.memory_space<hbm>> -> memref<4194304x16xf32, #tpu.memory_space<hbm>>
      tpu.enqueue_indirect_dma source(%dma_start3A_101 : memref<4194304x16xf32, #tpu.memory_space<hbm>>) target(%dma_start3A_95 : memref<128x16xf32, #tpu.memory_space<vmem>>) offsets(%dma_start3A_98 : memref<128xi32, #tpu.memory_space<vmem>>) semaphore(%arg13 : memref<!tpu.dma_semaphore, #tpu.memory_space<semaphore_mem>>)
      %dma_start3A_102 = arith.constant 2 : i32
      %dma_start3A_103 = arith.constant 2 : i32
      %dma_start3A_104 = arith.constant 0 : i32
      %dma_start3A_105 = arith.constant 0 : i32
      %dma_start3A_106 = tpu.memref_slice %arg9[%dma_start3A_103, %dma_start3A_104, %dma_start3A_105] : memref<4x128x16xf32, #tpu.memory_space<vmem>> -> memref<1x128x16xf32, #tpu.memory_space<vmem>>
      %dma_start3A_107 = tpu.memref_squeeze %dma_start3A_106 : memref<1x128x16xf32, #tpu.memory_space<vmem>> -> memref<128x16xf32, #tpu.memory_space<vmem>>
      %dma_start3A_108 = arith.constant 0 : i32
      %dma_start3A_109 = tpu.memref_slice %arg8[%dma_start3A_102, %dma_start3A_108] : memref<64x128xi32, #tpu.memory_space<vmem>> -> memref<1x128xi32, #tpu.memory_space<vmem>>
      %dma_start3A_110 = tpu.memref_squeeze %dma_start3A_109 : memref<1x128xi32, #tpu.memory_space<vmem>> -> memref<128xi32, #tpu.memory_space<vmem>>
      %dma_start3A_111 = arith.constant 0 : i32
      %dma_start3A_112 = arith.constant 0 : i32
      %dma_start3A_113 = tpu.memref_slice %arg4[%dma_start3A_111, %dma_start3A_112] : memref<4194304x16xf32, #tpu.memory_space<hbm>> -> memref<4194304x16xf32, #tpu.memory_space<hbm>>
      tpu.enqueue_indirect_dma source(%dma_start3A_113 : memref<4194304x16xf32, #tpu.memory_space<hbm>>) target(%dma_start3A_107 : memref<128x16xf32, #tpu.memory_space<vmem>>) offsets(%dma_start3A_110 : memref<128xi32, #tpu.memory_space<vmem>>) semaphore(%arg14 : memref<!tpu.dma_semaphore, #tpu.memory_space<semaphore_mem>>)
      %scan3A_114 = arith.constant 0 : i32
      %scan3A_115 = arith.constant 0 : i32
      %scan3A_116 = arith.constant 16 : i32
      %scan3A_117 = arith.addi %scan3A_115, %scan3A_116 : i32
      %scan3A_118 = arith.constant 1 : i32
      scf.for %scan3A_191 = %scan3A_115 to %scan3A_117 step %scan3A_118  : i32 {
        %mul3A_192 = arith.constant 4 : i32
        %mul3A_193 = arith.muli %mul3A_192, %scan3A_191 : i32
        %add3A_194 = arith.constant 0 : i32
        %add3A_195 = arith.addi %mul3A_193, %add3A_194 : i32
        %add3A_196 = arith.constant 3 : i32
        %add3A_197 = arith.addi %add3A_195, %add3A_196 : i32
        %lt3A_198 = arith.constant 64 : i32
        %lt3A_199 = arith.cmpi slt, %add3A_197, %lt3A_198 : i32
        %convert_element_type3A_200 = arith.extui %lt3A_199 : i1 to i32
        %cond3A_201 = arith.constant 0 : i32
        %cond3A_202 = arith.cmpi ne, %convert_element_type3A_200, %cond3A_201 : i32
        scf.if %cond3A_202 {
          %add3A_351 = arith.constant 3 : i32
          %add3A_352 = arith.addi %add3A_195, %add3A_351 : i32
          %dma_start3A_353 = arith.constant 3 : i32
          %dma_start3A_354 = arith.constant 0 : i32
          %dma_start3A_355 = arith.constant 0 : i32
          %dma_start3A_356 = tpu.memref_slice %arg9[%dma_start3A_353, %dma_start3A_354, %dma_start3A_355] : memref<4x128x16xf32, #tpu.memory_space<vmem>> -> memref<1x128x16xf32, #tpu.memory_space<vmem>>
          %dma_start3A_357 = tpu.memref_squeeze %dma_start3A_356 : memref<1x128x16xf32, #tpu.memory_space<vmem>> -> memref<128x16xf32, #tpu.memory_space<vmem>>
          %dma_start3A_358 = arith.constant 0 : i32
          %dma_start3A_359 = tpu.memref_slice %arg8[%add3A_352, %dma_start3A_358] : memref<64x128xi32, #tpu.memory_space<vmem>> -> memref<1x128xi32, #tpu.memory_space<vmem>>
          %dma_start3A_360 = tpu.memref_squeeze %dma_start3A_359 : memref<1x128xi32, #tpu.memory_space<vmem>> -> memref<128xi32, #tpu.memory_space<vmem>>
          %dma_start3A_361 = arith.constant 0 : i32
          %dma_start3A_362 = arith.constant 0 : i32
          %dma_start3A_363 = tpu.memref_slice %arg4[%dma_start3A_361, %dma_start3A_362] : memref<4194304x16xf32, #tpu.memory_space<hbm>> -> memref<4194304x16xf32, #tpu.memory_space<hbm>>
          tpu.enqueue_indirect_dma source(%dma_start3A_363 : memref<4194304x16xf32, #tpu.memory_space<hbm>>) target(%dma_start3A_357 : memref<128x16xf32, #tpu.memory_space<vmem>>) offsets(%dma_start3A_360 : memref<128xi32, #tpu.memory_space<vmem>>) semaphore(%arg15 : memref<!tpu.dma_semaphore, #tpu.memory_space<semaphore_mem>>)
        } else {
        }
        %dma_wait3A_203 = arith.constant 0 : i32
        %dma_wait3A_204 = arith.constant 0 : i32
        %dma_wait3A_205 = arith.constant 0 : i32
        %dma_wait3A_206 = tpu.memref_slice %arg9[%dma_wait3A_203, %dma_wait3A_204, %dma_wait3A_205] : memref<4x128x16xf32, #tpu.memory_space<vmem>> -> memref<1x128x16xf32, #tpu.memory_space<vmem>>
        %dma_wait3A_207 = tpu.memref_squeeze %dma_wait3A_206 : memref<1x128x16xf32, #tpu.memory_space<vmem>> -> memref<128x16xf32, #tpu.memory_space<vmem>>
        %dma_wait3A_208 = arith.constant 0 : i32
        %dma_wait3A_209 = tpu.memref_slice %arg8[%add3A_195, %dma_wait3A_208] : memref<64x128xi32, #tpu.memory_space<vmem>> -> memref<1x128xi32, #tpu.memory_space<vmem>>
        %dma_wait3A_210 = tpu.memref_squeeze %dma_wait3A_209 : memref<1x128xi32, #tpu.memory_space<vmem>> -> memref<128xi32, #tpu.memory_space<vmem>>
        %dma_wait3A_211 = arith.constant 0 : i32
        %dma_wait3A_212 = arith.constant 0 : i32
        %dma_wait3A_213 = tpu.memref_slice %arg4[%dma_wait3A_211, %dma_wait3A_212] : memref<4194304x16xf32, #tpu.memory_space<hbm>> -> memref<4194304x16xf32, #tpu.memory_space<hbm>>
        tpu.wait_indirect_dma semaphore(%arg12 : memref<!tpu.dma_semaphore, #tpu.memory_space<semaphore_mem>>) src(%dma_wait3A_213 : memref<4194304x16xf32, #tpu.memory_space<hbm>>) dst(%dma_wait3A_207 : memref<128x16xf32, #tpu.memory_space<vmem>>)
        %broadcast_in_dim3A_214 = arith.constant 0.000000e+00 : f32
        %broadcast_in_dim3A_215 = vector.broadcast %broadcast_in_dim3A_214 : f32 to vector<16xf32>
        %scan3A_216 = arith.constant 0 : i32
        %scan3A_217 = arith.constant 16 : i32
        %scan3A_218 = arith.addi %scan3A_216, %scan3A_217 : i32
        %scan3A_219 = arith.constant 1 : i32
        %scan3A_220:4 = scf.for %scan3A_351 = %scan3A_216 to %scan3A_218 step %scan3A_219 iter_args(%scan3A_352 = %broadcast_in_dim3A_215, %scan3A_353 = %broadcast_in_dim3A_215, %scan3A_354 = %broadcast_in_dim3A_215, %scan3A_355 = %broadcast_in_dim3A_215) -> (vector<16xf32>, vector<16xf32>, vector<16xf32>, vector<16xf32>)  : i32 {
          %mul3A_356 = arith.constant 8 : i32
          %mul3A_357 = arith.muli %scan3A_351, %mul3A_356 : i32
          %add3A_358 = arith.constant 0 : i32
          %add3A_359 = arith.addi %mul3A_357, %add3A_358 : i32
          %get3A_360 = arith.constant 0 : i32
          %get3A_361 = arith.index_cast %get3A_360 : i32 to index
          %get3A_362 = arith.index_cast %add3A_359 : i32 to index
          %get3A_363 = arith.constant 0 : index
          %get3A_364 = tpu.vector_load %arg9[%get3A_361, %get3A_362, %get3A_363] {strides = array<i32>} : memref<4x128x16xf32, #tpu.memory_space<vmem>>, vector<16xf32>,
          %add3A_365 = arith.addf %scan3A_352, %get3A_364 : vector<16xf32>
          %mul3A_366 = arith.constant 8 : i32
          %mul3A_367 = arith.muli %scan3A_351, %mul3A_366 : i32
          %add3A_368 = arith.constant 1 : i32
          %add3A_369 = arith.addi %mul3A_367, %add3A_368 : i32
          %get3A_370 = arith.constant 0 : i32
          %get3A_371 = arith.index_cast %get3A_370 : i32 to index
          %get3A_372 = arith.index_cast %add3A_369 : i32 to index
          %get3A_373 = arith.constant 0 : index
          %get3A_374 = tpu.vector_load %arg9[%get3A_371, %get3A_372, %get3A_373] {strides = array<i32>} : memref<4x128x16xf32, #tpu.memory_space<vmem>>, vector<16xf32>,
          %add3A_375 = arith.addf %scan3A_353, %get3A_374 : vector<16xf32>
          %mul3A_376 = arith.constant 8 : i32
          %mul3A_377 = arith.muli %scan3A_351, %mul3A_376 : i32
          %add3A_378 = arith.constant 2 : i32
          %add3A_379 = arith.addi %mul3A_377, %add3A_378 : i32
          %get3A_380 = arith.constant 0 : i32
          %get3A_381 = arith.index_cast %get3A_380 : i32 to index
          %get3A_382 = arith.index_cast %add3A_379 : i32 to index
          %get3A_383 = arith.constant 0 : index
          %get3A_384 = tpu.vector_load %arg9[%get3A_381, %get3A_382, %get3A_383] {strides = array<i32>} : memref<4x128x16xf32, #tpu.memory_space<vmem>>, vector<16xf32>,
          %add3A_385 = arith.addf %scan3A_354, %get3A_384 : vector<16xf32>
          %mul3A_386 = arith.constant 8 : i32
          %mul3A_387 = arith.muli %scan3A_351, %mul3A_386 : i32
          %add3A_388 = arith.constant 3 : i32
          %add3A_389 = arith.addi %mul3A_387, %add3A_388 : i32
          %get3A_390 = arith.constant 0 : i32
          %get3A_391 = arith.index_cast %get3A_390 : i32 to index
          %get3A_392 = arith.index_cast %add3A_389 : i32 to index
          %get3A_393 = arith.constant 0 : index
          %get3A_394 = tpu.vector_load %arg9[%get3A_391, %get3A_392, %get3A_393] {strides = array<i32>} : memref<4x128x16xf32, #tpu.memory_space<vmem>>, vector<16xf32>,
          %add3A_395 = arith.addf %scan3A_355, %get3A_394 : vector<16xf32>
          %mul3A_396 = arith.constant 8 : i32
          %mul3A_397 = arith.muli %scan3A_351, %mul3A_396 : i32
          %add3A_398 = arith.constant 4 : i32
          %add3A_399 = arith.addi %mul3A_397, %add3A_398 : i32
          %get3A_400 = arith.constant 0 : i32
          %get3A_401 = arith.index_cast %get3A_400 : i32 to index
          %get3A_402 = arith.index_cast %add3A_399 : i32 to index
          %get3A_403 = arith.constant 0 : index
          %get3A_404 = tpu.vector_load %arg9[%get3A_401, %get3A_402, %get3A_403] {strides = array<i32>} : memref<4x128x16xf32, #tpu.memory_space<vmem>>, vector<16xf32>,
          %add3A_405 = arith.addf %add3A_365, %get3A_404 : vector<16xf32>
          %mul3A_406 = arith.constant 8 : i32
          %mul3A_407 = arith.muli %scan3A_351, %mul3A_406 : i32
          %add3A_408 = arith.constant 5 : i32
          %add3A_409 = arith.addi %mul3A_407, %add3A_408 : i32
          %get3A_410 = arith.constant 0 : i32
          %get3A_411 = arith.index_cast %get3A_410 : i32 to index
          %get3A_412 = arith.index_cast %add3A_409 : i32 to index
          %get3A_413 = arith.constant 0 : index
          %get3A_414 = tpu.vector_load %arg9[%get3A_411, %get3A_412, %get3A_413] {strides = array<i32>} : memref<4x128x16xf32, #tpu.memory_space<vmem>>, vector<16xf32>,
          %add3A_415 = arith.addf %add3A_375, %get3A_414 : vector<16xf32>
          %mul3A_416 = arith.constant 8 : i32
          %mul3A_417 = arith.muli %scan3A_351, %mul3A_416 : i32
          %add3A_418 = arith.constant 6 : i32
          %add3A_419 = arith.addi %mul3A_417, %add3A_418 : i32
          %get3A_420 = arith.constant 0 : i32
          %get3A_421 = arith.index_cast %get3A_420 : i32 to index
          %get3A_422 = arith.index_cast %add3A_419 : i32 to index
          %get3A_423 = arith.constant 0 : index
          %get3A_424 = tpu.vector_load %arg9[%get3A_421, %get3A_422, %get3A_423] {strides = array<i32>} : memref<4x128x16xf32, #tpu.memory_space<vmem>>, vector<16xf32>,
          %add3A_425 = arith.addf %add3A_385, %get3A_424 : vector<16xf32>
          %mul3A_426 = arith.constant 8 : i32
          %mul3A_427 = arith.muli %scan3A_351, %mul3A_426 : i32
          %add3A_428 = arith.constant 7 : i32
          %add3A_429 = arith.addi %mul3A_427, %add3A_428 : i32
          %get3A_430 = arith.constant 0 : i32
          %get3A_431 = arith.index_cast %get3A_430 : i32 to index
          %get3A_432 = arith.index_cast %add3A_429 : i32 to index
          %get3A_433 = arith.constant 0 : index
          %get3A_434 = tpu.vector_load %arg9[%get3A_431, %get3A_432, %get3A_433] {strides = array<i32>} : memref<4x128x16xf32, #tpu.memory_space<vmem>>, vector<16xf32>,
          %add3A_435 = arith.addf %add3A_395, %get3A_434 : vector<16xf32>
          scf.yield %add3A_405, %add3A_415, %add3A_425, %add3A_435 : vector<16xf32>, vector<16xf32>, vector<16xf32>, vector<16xf32>
        }
        %scan3A_221 = arith.constant 16 : i32
        %add3A_222 = arith.addf %scan3A_220#0, %scan3A_220#1 : vector<16xf32>
        %add3A_223 = arith.addf %scan3A_220#2, %scan3A_220#3 : vector<16xf32>
        %add3A_224 = arith.addf %add3A_222, %add3A_223 : vector<16xf32>
        %shift_right_arithmetic3A = arith.constant 3 : i32
        %shift_right_arithmetic3A_225 = arith.shrsi %add3A_195, %shift_right_arithmetic3A : i32
        %mul3A_226 = arith.constant 16 : i32
        %mul3A_227 = arith.muli %shift_right_arithmetic3A_225, %mul3A_226 : i32
        %swap3A_228 = arith.index_cast %scan3A_21 : i32 to index
        %swap3A_229 = arith.index_cast %mul3A_227 : i32 to index
        %swap3A_230 = tpu.vector_load %arg10[%swap3A_228, %swap3A_229] {strides = array<i32>} : memref<16x128xf32, #tpu.memory_space<vmem>>, vector<16xf32>,
        tpu.vector_store %arg10[%swap3A_228, %swap3A_229], %add3A_224 {add = true, strides = array<i32>} : memref<16x128xf32, #tpu.memory_space<vmem>>, vector<16xf32>,
        %mul3A_231 = arith.constant 4 : i32
        %mul3A_232 = arith.muli %mul3A_231, %scan3A_191 : i32
        %add3A_233 = arith.constant 1 : i32
        %add3A_234 = arith.addi %mul3A_232, %add3A_233 : i32
        %add3A_235 = arith.constant 3 : i32
        %add3A_236 = arith.addi %add3A_234, %add3A_235 : i32
        %lt3A_237 = arith.constant 64 : i32
        %lt3A_238 = arith.cmpi slt, %add3A_236, %lt3A_237 : i32
        %convert_element_type3A_239 = arith.extui %lt3A_238 : i1 to i32
        %cond3A_240 = arith.constant 0 : i32
        %cond3A_241 = arith.cmpi ne, %convert_element_type3A_239, %cond3A_240 : i32
        scf.if %cond3A_241 {
          %add3A_351 = arith.constant 3 : i32
          %add3A_352 = arith.addi %add3A_234, %add3A_351 : i32
          %dma_start3A_353 = arith.constant 0 : i32
          %dma_start3A_354 = arith.constant 0 : i32
          %dma_start3A_355 = arith.constant 0 : i32
          %dma_start3A_356 = tpu.memref_slice %arg9[%dma_start3A_353, %dma_start3A_354, %dma_start3A_355] : memref<4x128x16xf32, #tpu.memory_space<vmem>> -> memref<1x128x16xf32, #tpu.memory_space<vmem>>
          %dma_start3A_357 = tpu.memref_squeeze %dma_start3A_356 : memref<1x128x16xf32, #tpu.memory_space<vmem>> -> memref<128x16xf32, #tpu.memory_space<vmem>>
          %dma_start3A_358 = arith.constant 0 : i32
          %dma_start3A_359 = tpu.memref_slice %arg8[%add3A_352, %dma_start3A_358] : memref<64x128xi32, #tpu.memory_space<vmem>> -> memref<1x128xi32, #tpu.memory_space<vmem>>
          %dma_start3A_360 = tpu.memref_squeeze %dma_start3A_359 : memref<1x128xi32, #tpu.memory_space<vmem>> -> memref<128xi32, #tpu.memory_space<vmem>>
          %dma_start3A_361 = arith.constant 0 : i32
          %dma_start3A_362 = arith.constant 0 : i32
          %dma_start3A_363 = tpu.memref_slice %arg4[%dma_start3A_361, %dma_start3A_362] : memref<4194304x16xf32, #tpu.memory_space<hbm>> -> memref<4194304x16xf32, #tpu.memory_space<hbm>>
          tpu.enqueue_indirect_dma source(%dma_start3A_363 : memref<4194304x16xf32, #tpu.memory_space<hbm>>) target(%dma_start3A_357 : memref<128x16xf32, #tpu.memory_space<vmem>>) offsets(%dma_start3A_360 : memref<128xi32, #tpu.memory_space<vmem>>) semaphore(%arg12 : memref<!tpu.dma_semaphore, #tpu.memory_space<semaphore_mem>>)
        } else {
        }
        %dma_wait3A_242 = arith.constant 1 : i32
        %dma_wait3A_243 = arith.constant 0 : i32
        %dma_wait3A_244 = arith.constant 0 : i32
        %dma_wait3A_245 = tpu.memref_slice %arg9[%dma_wait3A_242, %dma_wait3A_243, %dma_wait3A_244] : memref<4x128x16xf32, #tpu.memory_space<vmem>> -> memref<1x128x16xf32, #tpu.memory_space<vmem>>
        %dma_wait3A_246 = tpu.memref_squeeze %dma_wait3A_245 : memref<1x128x16xf32, #tpu.memory_space<vmem>> -> memref<128x16xf32, #tpu.memory_space<vmem>>
        %dma_wait3A_247 = arith.constant 0 : i32
        %dma_wait3A_248 = tpu.memref_slice %arg8[%add3A_234, %dma_wait3A_247] : memref<64x128xi32, #tpu.memory_space<vmem>> -> memref<1x128xi32, #tpu.memory_space<vmem>>
        %dma_wait3A_249 = tpu.memref_squeeze %dma_wait3A_248 : memref<1x128xi32, #tpu.memory_space<vmem>> -> memref<128xi32, #tpu.memory_space<vmem>>
        %dma_wait3A_250 = arith.constant 0 : i32
        %dma_wait3A_251 = arith.constant 0 : i32
        %dma_wait3A_252 = tpu.memref_slice %arg4[%dma_wait3A_250, %dma_wait3A_251] : memref<4194304x16xf32, #tpu.memory_space<hbm>> -> memref<4194304x16xf32, #tpu.memory_space<hbm>>
        tpu.wait_indirect_dma semaphore(%arg13 : memref<!tpu.dma_semaphore, #tpu.memory_space<semaphore_mem>>) src(%dma_wait3A_252 : memref<4194304x16xf32, #tpu.memory_space<hbm>>) dst(%dma_wait3A_246 : memref<128x16xf32, #tpu.memory_space<vmem>>)
        %broadcast_in_dim3A_253 = arith.constant 0.000000e+00 : f32
        %broadcast_in_dim3A_254 = vector.broadcast %broadcast_in_dim3A_253 : f32 to vector<16xf32>
        %scan3A_255 = arith.constant 0 : i32
        %scan3A_256 = arith.constant 16 : i32
        %scan3A_257 = arith.addi %scan3A_255, %scan3A_256 : i32
        %scan3A_258 = arith.constant 1 : i32
        %scan3A_259:4 = scf.for %scan3A_351 = %scan3A_255 to %scan3A_257 step %scan3A_258 iter_args(%scan3A_352 = %broadcast_in_dim3A_254, %scan3A_353 = %broadcast_in_dim3A_254, %scan3A_354 = %broadcast_in_dim3A_254, %scan3A_355 = %broadcast_in_dim3A_254) -> (vector<16xf32>, vector<16xf32>, vector<16xf32>, vector<16xf32>)  : i32 {
          %mul3A_356 = arith.constant 8 : i32
          %mul3A_357 = arith.muli %scan3A_351, %mul3A_356 : i32
          %add3A_358 = arith.constant 0 : i32
          %add3A_359 = arith.addi %mul3A_357, %add3A_358 : i32
          %get3A_360 = arith.constant 1 : i32
          %get3A_361 = arith.index_cast %get3A_360 : i32 to index
          %get3A_362 = arith.index_cast %add3A_359 : i32 to index
          %get3A_363 = arith.constant 0 : index
          %get3A_364 = tpu.vector_load %arg9[%get3A_361, %get3A_362, %get3A_363] {strides = array<i32>} : memref<4x128x16xf32, #tpu.memory_space<vmem>>, vector<16xf32>,
          %add3A_365 = arith.addf %scan3A_352, %get3A_364 : vector<16xf32>
          %mul3A_366 = arith.constant 8 : i32
          %mul3A_367 = arith.muli %scan3A_351, %mul3A_366 : i32
          %add3A_368 = arith.constant 1 : i32
          %add3A_369 = arith.addi %mul3A_367, %add3A_368 : i32
          %get3A_370 = arith.constant 1 : i32
          %get3A_371 = arith.index_cast %get3A_370 : i32 to index
          %get3A_372 = arith.index_cast %add3A_369 : i32 to index
          %get3A_373 = arith.constant 0 : index
          %get3A_374 = tpu.vector_load %arg9[%get3A_371, %get3A_372, %get3A_373] {strides = array<i32>} : memref<4x128x16xf32, #tpu.memory_space<vmem>>, vector<16xf32>,
          %add3A_375 = arith.addf %scan3A_353, %get3A_374 : vector<16xf32>
          %mul3A_376 = arith.constant 8 : i32
          %mul3A_377 = arith.muli %scan3A_351, %mul3A_376 : i32
          %add3A_378 = arith.constant 2 : i32
          %add3A_379 = arith.addi %mul3A_377, %add3A_378 : i32
          %get3A_380 = arith.constant 1 : i32
          %get3A_381 = arith.index_cast %get3A_380 : i32 to index
          %get3A_382 = arith.index_cast %add3A_379 : i32 to index
          %get3A_383 = arith.constant 0 : index
          %get3A_384 = tpu.vector_load %arg9[%get3A_381, %get3A_382, %get3A_383] {strides = array<i32>} : memref<4x128x16xf32, #tpu.memory_space<vmem>>, vector<16xf32>,
          %add3A_385 = arith.addf %scan3A_354, %get3A_384 : vector<16xf32>
          %mul3A_386 = arith.constant 8 : i32
          %mul3A_387 = arith.muli %scan3A_351, %mul3A_386 : i32
          %add3A_388 = arith.constant 3 : i32
          %add3A_389 = arith.addi %mul3A_387, %add3A_388 : i32
          %get3A_390 = arith.constant 1 : i32
          %get3A_391 = arith.index_cast %get3A_390 : i32 to index
          %get3A_392 = arith.index_cast %add3A_389 : i32 to index
          %get3A_393 = arith.constant 0 : index
          %get3A_394 = tpu.vector_load %arg9[%get3A_391, %get3A_392, %get3A_393] {strides = array<i32>} : memref<4x128x16xf32, #tpu.memory_space<vmem>>, vector<16xf32>,
          %add3A_395 = arith.addf %scan3A_355, %get3A_394 : vector<16xf32>
          %mul3A_396 = arith.constant 8 : i32
          %mul3A_397 = arith.muli %scan3A_351, %mul3A_396 : i32
          %add3A_398 = arith.constant 4 : i32
          %add3A_399 = arith.addi %mul3A_397, %add3A_398 : i32
          %get3A_400 = arith.constant 1 : i32
          %get3A_401 = arith.index_cast %get3A_400 : i32 to index
          %get3A_402 = arith.index_cast %add3A_399 : i32 to index
          %get3A_403 = arith.constant 0 : index
          %get3A_404 = tpu.vector_load %arg9[%get3A_401, %get3A_402, %get3A_403] {strides = array<i32>} : memref<4x128x16xf32, #tpu.memory_space<vmem>>, vector<16xf32>,
          %add3A_405 = arith.addf %add3A_365, %get3A_404 : vector<16xf32>
          %mul3A_406 = arith.constant 8 : i32
          %mul3A_407 = arith.muli %scan3A_351, %mul3A_406 : i32
          %add3A_408 = arith.constant 5 : i32
          %add3A_409 = arith.addi %mul3A_407, %add3A_408 : i32
          %get3A_410 = arith.constant 1 : i32
          %get3A_411 = arith.index_cast %get3A_410 : i32 to index
          %get3A_412 = arith.index_cast %add3A_409 : i32 to index
          %get3A_413 = arith.constant 0 : index
          %get3A_414 = tpu.vector_load %arg9[%get3A_411, %get3A_412, %get3A_413] {strides = array<i32>} : memref<4x128x16xf32, #tpu.memory_space<vmem>>, vector<16xf32>,
          %add3A_415 = arith.addf %add3A_375, %get3A_414 : vector<16xf32>
          %mul3A_416 = arith.constant 8 : i32
          %mul3A_417 = arith.muli %scan3A_351, %mul3A_416 : i32
          %add3A_418 = arith.constant 6 : i32
          %add3A_419 = arith.addi %mul3A_417, %add3A_418 : i32
          %get3A_420 = arith.constant 1 : i32
          %get3A_421 = arith.index_cast %get3A_420 : i32 to index
          %get3A_422 = arith.index_cast %add3A_419 : i32 to index
          %get3A_423 = arith.constant 0 : index
          %get3A_424 = tpu.vector_load %arg9[%get3A_421, %get3A_422, %get3A_423] {strides = array<i32>} : memref<4x128x16xf32, #tpu.memory_space<vmem>>, vector<16xf32>,
          %add3A_425 = arith.addf %add3A_385, %get3A_424 : vector<16xf32>
          %mul3A_426 = arith.constant 8 : i32
          %mul3A_427 = arith.muli %scan3A_351, %mul3A_426 : i32
          %add3A_428 = arith.constant 7 : i32
          %add3A_429 = arith.addi %mul3A_427, %add3A_428 : i32
          %get3A_430 = arith.constant 1 : i32
          %get3A_431 = arith.index_cast %get3A_430 : i32 to index
          %get3A_432 = arith.index_cast %add3A_429 : i32 to index
          %get3A_433 = arith.constant 0 : index
          %get3A_434 = tpu.vector_load %arg9[%get3A_431, %get3A_432, %get3A_433] {strides = array<i32>} : memref<4x128x16xf32, #tpu.memory_space<vmem>>, vector<16xf32>,
          %add3A_435 = arith.addf %add3A_395, %get3A_434 : vector<16xf32>
          scf.yield %add3A_405, %add3A_415, %add3A_425, %add3A_435 : vector<16xf32>, vector<16xf32>, vector<16xf32>, vector<16xf32>
        }
        %scan3A_260 = arith.constant 16 : i32
        %add3A_261 = arith.addf %scan3A_259#0, %scan3A_259#1 : vector<16xf32>
        %add3A_262 = arith.addf %scan3A_259#2, %scan3A_259#3 : vector<16xf32>
        %add3A_263 = arith.addf %add3A_261, %add3A_262 : vector<16xf32>
        %shift_right_arithmetic3A_264 = arith.constant 3 : i32
        %shift_right_arithmetic3A_265 = arith.shrsi %add3A_234, %shift_right_arithmetic3A_264 : i32
        %mul3A_266 = arith.constant 16 : i32
        %mul3A_267 = arith.muli %shift_right_arithmetic3A_265, %mul3A_266 : i32
        %swap3A_268 = arith.index_cast %scan3A_21 : i32 to index
        %swap3A_269 = arith.index_cast %mul3A_267 : i32 to index
        %swap3A_270 = tpu.vector_load %arg10[%swap3A_268, %swap3A_269] {strides = array<i32>} : memref<16x128xf32, #tpu.memory_space<vmem>>, vector<16xf32>,
        tpu.vector_store %arg10[%swap3A_268, %swap3A_269], %add3A_263 {add = true, strides = array<i32>} : memref<16x128xf32, #tpu.memory_space<vmem>>, vector<16xf32>,
        %mul3A_271 = arith.constant 4 : i32
        %mul3A_272 = arith.muli %mul3A_271, %scan3A_191 : i32
        %add3A_273 = arith.constant 2 : i32
        %add3A_274 = arith.addi %mul3A_272, %add3A_273 : i32
        %add3A_275 = arith.constant 3 : i32
        %add3A_276 = arith.addi %add3A_274, %add3A_275 : i32
        %lt3A_277 = arith.constant 64 : i32
        %lt3A_278 = arith.cmpi slt, %add3A_276, %lt3A_277 : i32
        %convert_element_type3A_279 = arith.extui %lt3A_278 : i1 to i32
        %cond3A_280 = arith.constant 0 : i32
        %cond3A_281 = arith.cmpi ne, %convert_element_type3A_279, %cond3A_280 : i32
        scf.if %cond3A_281 {
          %add3A_351 = arith.constant 3 : i32
          %add3A_352 = arith.addi %add3A_274, %add3A_351 : i32
          %dma_start3A_353 = arith.constant 1 : i32
          %dma_start3A_354 = arith.constant 0 : i32
          %dma_start3A_355 = arith.constant 0 : i32
          %dma_start3A_356 = tpu.memref_slice %arg9[%dma_start3A_353, %dma_start3A_354, %dma_start3A_355] : memref<4x128x16xf32, #tpu.memory_space<vmem>> -> memref<1x128x16xf32, #tpu.memory_space<vmem>>
          %dma_start3A_357 = tpu.memref_squeeze %dma_start3A_356 : memref<1x128x16xf32, #tpu.memory_space<vmem>> -> memref<128x16xf32, #tpu.memory_space<vmem>>
          %dma_start3A_358 = arith.constant 0 : i32
          %dma_start3A_359 = tpu.memref_slice %arg8[%add3A_352, %dma_start3A_358] : memref<64x128xi32, #tpu.memory_space<vmem>> -> memref<1x128xi32, #tpu.memory_space<vmem>>
          %dma_start3A_360 = tpu.memref_squeeze %dma_start3A_359 : memref<1x128xi32, #tpu.memory_space<vmem>> -> memref<128xi32, #tpu.memory_space<vmem>>
          %dma_start3A_361 = arith.constant 0 : i32
          %dma_start3A_362 = arith.constant 0 : i32
          %dma_start3A_363 = tpu.memref_slice %arg4[%dma_start3A_361, %dma_start3A_362] : memref<4194304x16xf32, #tpu.memory_space<hbm>> -> memref<4194304x16xf32, #tpu.memory_space<hbm>>
          tpu.enqueue_indirect_dma source(%dma_start3A_363 : memref<4194304x16xf32, #tpu.memory_space<hbm>>) target(%dma_start3A_357 : memref<128x16xf32, #tpu.memory_space<vmem>>) offsets(%dma_start3A_360 : memref<128xi32, #tpu.memory_space<vmem>>) semaphore(%arg13 : memref<!tpu.dma_semaphore, #tpu.memory_space<semaphore_mem>>)
        } else {
        }
        %dma_wait3A_282 = arith.constant 2 : i32
        %dma_wait3A_283 = arith.constant 0 : i32
        %dma_wait3A_284 = arith.constant 0 : i32
        %dma_wait3A_285 = tpu.memref_slice %arg9[%dma_wait3A_282, %dma_wait3A_283, %dma_wait3A_284] : memref<4x128x16xf32, #tpu.memory_space<vmem>> -> memref<1x128x16xf32, #tpu.memory_space<vmem>>
        %dma_wait3A_286 = tpu.memref_squeeze %dma_wait3A_285 : memref<1x128x16xf32, #tpu.memory_space<vmem>> -> memref<128x16xf32, #tpu.memory_space<vmem>>
        %dma_wait3A_287 = arith.constant 0 : i32
        %dma_wait3A_288 = tpu.memref_slice %arg8[%add3A_274, %dma_wait3A_287] : memref<64x128xi32, #tpu.memory_space<vmem>> -> memref<1x128xi32, #tpu.memory_space<vmem>>
        %dma_wait3A_289 = tpu.memref_squeeze %dma_wait3A_288 : memref<1x128xi32, #tpu.memory_space<vmem>> -> memref<128xi32, #tpu.memory_space<vmem>>
        %dma_wait3A_290 = arith.constant 0 : i32
        %dma_wait3A_291 = arith.constant 0 : i32
        %dma_wait3A_292 = tpu.memref_slice %arg4[%dma_wait3A_290, %dma_wait3A_291] : memref<4194304x16xf32, #tpu.memory_space<hbm>> -> memref<4194304x16xf32, #tpu.memory_space<hbm>>
        tpu.wait_indirect_dma semaphore(%arg14 : memref<!tpu.dma_semaphore, #tpu.memory_space<semaphore_mem>>) src(%dma_wait3A_292 : memref<4194304x16xf32, #tpu.memory_space<hbm>>) dst(%dma_wait3A_286 : memref<128x16xf32, #tpu.memory_space<vmem>>)
        %broadcast_in_dim3A_293 = arith.constant 0.000000e+00 : f32
        %broadcast_in_dim3A_294 = vector.broadcast %broadcast_in_dim3A_293 : f32 to vector<16xf32>
        %scan3A_295 = arith.constant 0 : i32
        %scan3A_296 = arith.constant 16 : i32
        %scan3A_297 = arith.addi %scan3A_295, %scan3A_296 : i32
        %scan3A_298 = arith.constant 1 : i32
        %scan3A_299:4 = scf.for %scan3A_351 = %scan3A_295 to %scan3A_297 step %scan3A_298 iter_args(%scan3A_352 = %broadcast_in_dim3A_294, %scan3A_353 = %broadcast_in_dim3A_294, %scan3A_354 = %broadcast_in_dim3A_294, %scan3A_355 = %broadcast_in_dim3A_294) -> (vector<16xf32>, vector<16xf32>, vector<16xf32>, vector<16xf32>)  : i32 {
          %mul3A_356 = arith.constant 8 : i32
          %mul3A_357 = arith.muli %scan3A_351, %mul3A_356 : i32
          %add3A_358 = arith.constant 0 : i32
          %add3A_359 = arith.addi %mul3A_357, %add3A_358 : i32
          %get3A_360 = arith.constant 2 : i32
          %get3A_361 = arith.index_cast %get3A_360 : i32 to index
          %get3A_362 = arith.index_cast %add3A_359 : i32 to index
          %get3A_363 = arith.constant 0 : index
          %get3A_364 = tpu.vector_load %arg9[%get3A_361, %get3A_362, %get3A_363] {strides = array<i32>} : memref<4x128x16xf32, #tpu.memory_space<vmem>>, vector<16xf32>,
          %add3A_365 = arith.addf %scan3A_352, %get3A_364 : vector<16xf32>
          %mul3A_366 = arith.constant 8 : i32
          %mul3A_367 = arith.muli %scan3A_351, %mul3A_366 : i32
          %add3A_368 = arith.constant 1 : i32
          %add3A_369 = arith.addi %mul3A_367, %add3A_368 : i32
          %get3A_370 = arith.constant 2 : i32
          %get3A_371 = arith.index_cast %get3A_370 : i32 to index
          %get3A_372 = arith.index_cast %add3A_369 : i32 to index
          %get3A_373 = arith.constant 0 : index
          %get3A_374 = tpu.vector_load %arg9[%get3A_371, %get3A_372, %get3A_373] {strides = array<i32>} : memref<4x128x16xf32, #tpu.memory_space<vmem>>, vector<16xf32>,
          %add3A_375 = arith.addf %scan3A_353, %get3A_374 : vector<16xf32>
          %mul3A_376 = arith.constant 8 : i32
          %mul3A_377 = arith.muli %scan3A_351, %mul3A_376 : i32
          %add3A_378 = arith.constant 2 : i32
          %add3A_379 = arith.addi %mul3A_377, %add3A_378 : i32
          %get3A_380 = arith.constant 2 : i32
          %get3A_381 = arith.index_cast %get3A_380 : i32 to index
          %get3A_382 = arith.index_cast %add3A_379 : i32 to index
          %get3A_383 = arith.constant 0 : index
          %get3A_384 = tpu.vector_load %arg9[%get3A_381, %get3A_382, %get3A_383] {strides = array<i32>} : memref<4x128x16xf32, #tpu.memory_space<vmem>>, vector<16xf32>,
          %add3A_385 = arith.addf %scan3A_354, %get3A_384 : vector<16xf32>
          %mul3A_386 = arith.constant 8 : i32
          %mul3A_387 = arith.muli %scan3A_351, %mul3A_386 : i32
          %add3A_388 = arith.constant 3 : i32
          %add3A_389 = arith.addi %mul3A_387, %add3A_388 : i32
          %get3A_390 = arith.constant 2 : i32
          %get3A_391 = arith.index_cast %get3A_390 : i32 to index
          %get3A_392 = arith.index_cast %add3A_389 : i32 to index
          %get3A_393 = arith.constant 0 : index
          %get3A_394 = tpu.vector_load %arg9[%get3A_391, %get3A_392, %get3A_393] {strides = array<i32>} : memref<4x128x16xf32, #tpu.memory_space<vmem>>, vector<16xf32>,
          %add3A_395 = arith.addf %scan3A_355, %get3A_394 : vector<16xf32>
          %mul3A_396 = arith.constant 8 : i32
          %mul3A_397 = arith.muli %scan3A_351, %mul3A_396 : i32
          %add3A_398 = arith.constant 4 : i32
          %add3A_399 = arith.addi %mul3A_397, %add3A_398 : i32
          %get3A_400 = arith.constant 2 : i32
          %get3A_401 = arith.index_cast %get3A_400 : i32 to index
          %get3A_402 = arith.index_cast %add3A_399 : i32 to index
          %get3A_403 = arith.constant 0 : index
          %get3A_404 = tpu.vector_load %arg9[%get3A_401, %get3A_402, %get3A_403] {strides = array<i32>} : memref<4x128x16xf32, #tpu.memory_space<vmem>>, vector<16xf32>,
          %add3A_405 = arith.addf %add3A_365, %get3A_404 : vector<16xf32>
          %mul3A_406 = arith.constant 8 : i32
          %mul3A_407 = arith.muli %scan3A_351, %mul3A_406 : i32
          %add3A_408 = arith.constant 5 : i32
          %add3A_409 = arith.addi %mul3A_407, %add3A_408 : i32
          %get3A_410 = arith.constant 2 : i32
          %get3A_411 = arith.index_cast %get3A_410 : i32 to index
          %get3A_412 = arith.index_cast %add3A_409 : i32 to index
          %get3A_413 = arith.constant 0 : index
          %get3A_414 = tpu.vector_load %arg9[%get3A_411, %get3A_412, %get3A_413] {strides = array<i32>} : memref<4x128x16xf32, #tpu.memory_space<vmem>>, vector<16xf32>,
          %add3A_415 = arith.addf %add3A_375, %get3A_414 : vector<16xf32>
          %mul3A_416 = arith.constant 8 : i32
          %mul3A_417 = arith.muli %scan3A_351, %mul3A_416 : i32
          %add3A_418 = arith.constant 6 : i32
          %add3A_419 = arith.addi %mul3A_417, %add3A_418 : i32
          %get3A_420 = arith.constant 2 : i32
          %get3A_421 = arith.index_cast %get3A_420 : i32 to index
          %get3A_422 = arith.index_cast %add3A_419 : i32 to index
          %get3A_423 = arith.constant 0 : index
          %get3A_424 = tpu.vector_load %arg9[%get3A_421, %get3A_422, %get3A_423] {strides = array<i32>} : memref<4x128x16xf32, #tpu.memory_space<vmem>>, vector<16xf32>,
          %add3A_425 = arith.addf %add3A_385, %get3A_424 : vector<16xf32>
          %mul3A_426 = arith.constant 8 : i32
          %mul3A_427 = arith.muli %scan3A_351, %mul3A_426 : i32
          %add3A_428 = arith.constant 7 : i32
          %add3A_429 = arith.addi %mul3A_427, %add3A_428 : i32
          %get3A_430 = arith.constant 2 : i32
          %get3A_431 = arith.index_cast %get3A_430 : i32 to index
          %get3A_432 = arith.index_cast %add3A_429 : i32 to index
          %get3A_433 = arith.constant 0 : index
          %get3A_434 = tpu.vector_load %arg9[%get3A_431, %get3A_432, %get3A_433] {strides = array<i32>} : memref<4x128x16xf32, #tpu.memory_space<vmem>>, vector<16xf32>,
          %add3A_435 = arith.addf %add3A_395, %get3A_434 : vector<16xf32>
          scf.yield %add3A_405, %add3A_415, %add3A_425, %add3A_435 : vector<16xf32>, vector<16xf32>, vector<16xf32>, vector<16xf32>
        }
        %scan3A_300 = arith.constant 16 : i32
        %add3A_301 = arith.addf %scan3A_299#0, %scan3A_299#1 : vector<16xf32>
        %add3A_302 = arith.addf %scan3A_299#2, %scan3A_299#3 : vector<16xf32>
        %add3A_303 = arith.addf %add3A_301, %add3A_302 : vector<16xf32>
        %shift_right_arithmetic3A_304 = arith.constant 3 : i32
        %shift_right_arithmetic3A_305 = arith.shrsi %add3A_274, %shift_right_arithmetic3A_304 : i32
        %mul3A_306 = arith.constant 16 : i32
        %mul3A_307 = arith.muli %shift_right_arithmetic3A_305, %mul3A_306 : i32
        %swap3A_308 = arith.index_cast %scan3A_21 : i32 to index
        %swap3A_309 = arith.index_cast %mul3A_307 : i32 to index
        %swap3A_310 = tpu.vector_load %arg10[%swap3A_308, %swap3A_309] {strides = array<i32>} : memref<16x128xf32, #tpu.memory_space<vmem>>, vector<16xf32>,
        tpu.vector_store %arg10[%swap3A_308, %swap3A_309], %add3A_303 {add = true, strides = array<i32>} : memref<16x128xf32, #tpu.memory_space<vmem>>, vector<16xf32>,
        %mul3A_311 = arith.constant 4 : i32
        %mul3A_312 = arith.muli %mul3A_311, %scan3A_191 : i32
        %add3A_313 = arith.constant 3 : i32
        %add3A_314 = arith.addi %mul3A_312, %add3A_313 : i32
        %add3A_315 = arith.constant 3 : i32
        %add3A_316 = arith.addi %add3A_314, %add3A_315 : i32
        %lt3A_317 = arith.constant 64 : i32
        %lt3A_318 = arith.cmpi slt, %add3A_316, %lt3A_317 : i32
        %convert_element_type3A_319 = arith.extui %lt3A_318 : i1 to i32
        %cond3A_320 = arith.constant 0 : i32
        %cond3A_321 = arith.cmpi ne, %convert_element_type3A_319, %cond3A_320 : i32
        scf.if %cond3A_321 {
          %add3A_351 = arith.constant 3 : i32
          %add3A_352 = arith.addi %add3A_314, %add3A_351 : i32
          %dma_start3A_353 = arith.constant 2 : i32
          %dma_start3A_354 = arith.constant 0 : i32
          %dma_start3A_355 = arith.constant 0 : i32
          %dma_start3A_356 = tpu.memref_slice %arg9[%dma_start3A_353, %dma_start3A_354, %dma_start3A_355] : memref<4x128x16xf32, #tpu.memory_space<vmem>> -> memref<1x128x16xf32, #tpu.memory_space<vmem>>
          %dma_start3A_357 = tpu.memref_squeeze %dma_start3A_356 : memref<1x128x16xf32, #tpu.memory_space<vmem>> -> memref<128x16xf32, #tpu.memory_space<vmem>>
          %dma_start3A_358 = arith.constant 0 : i32
          %dma_start3A_359 = tpu.memref_slice %arg8[%add3A_352, %dma_start3A_358] : memref<64x128xi32, #tpu.memory_space<vmem>> -> memref<1x128xi32, #tpu.memory_space<vmem>>
          %dma_start3A_360 = tpu.memref_squeeze %dma_start3A_359 : memref<1x128xi32, #tpu.memory_space<vmem>> -> memref<128xi32, #tpu.memory_space<vmem>>
          %dma_start3A_361 = arith.constant 0 : i32
          %dma_start3A_362 = arith.constant 0 : i32
          %dma_start3A_363 = tpu.memref_slice %arg4[%dma_start3A_361, %dma_start3A_362] : memref<4194304x16xf32, #tpu.memory_space<hbm>> -> memref<4194304x16xf32, #tpu.memory_space<hbm>>
          tpu.enqueue_indirect_dma source(%dma_start3A_363 : memref<4194304x16xf32, #tpu.memory_space<hbm>>) target(%dma_start3A_357 : memref<128x16xf32, #tpu.memory_space<vmem>>) offsets(%dma_start3A_360 : memref<128xi32, #tpu.memory_space<vmem>>) semaphore(%arg14 : memref<!tpu.dma_semaphore, #tpu.memory_space<semaphore_mem>>)
        } else {
        }
        %dma_wait3A_322 = arith.constant 3 : i32
        %dma_wait3A_323 = arith.constant 0 : i32
        %dma_wait3A_324 = arith.constant 0 : i32
        %dma_wait3A_325 = tpu.memref_slice %arg9[%dma_wait3A_322, %dma_wait3A_323, %dma_wait3A_324] : memref<4x128x16xf32, #tpu.memory_space<vmem>> -> memref<1x128x16xf32, #tpu.memory_space<vmem>>
        %dma_wait3A_326 = tpu.memref_squeeze %dma_wait3A_325 : memref<1x128x16xf32, #tpu.memory_space<vmem>> -> memref<128x16xf32, #tpu.memory_space<vmem>>
        %dma_wait3A_327 = arith.constant 0 : i32
        %dma_wait3A_328 = tpu.memref_slice %arg8[%add3A_314, %dma_wait3A_327] : memref<64x128xi32, #tpu.memory_space<vmem>> -> memref<1x128xi32, #tpu.memory_space<vmem>>
        %dma_wait3A_329 = tpu.memref_squeeze %dma_wait3A_328 : memref<1x128xi32, #tpu.memory_space<vmem>> -> memref<128xi32, #tpu.memory_space<vmem>>
        %dma_wait3A_330 = arith.constant 0 : i32
        %dma_wait3A_331 = arith.constant 0 : i32
        %dma_wait3A_332 = tpu.memref_slice %arg4[%dma_wait3A_330, %dma_wait3A_331] : memref<4194304x16xf32, #tpu.memory_space<hbm>> -> memref<4194304x16xf32, #tpu.memory_space<hbm>>
        tpu.wait_indirect_dma semaphore(%arg15 : memref<!tpu.dma_semaphore, #tpu.memory_space<semaphore_mem>>) src(%dma_wait3A_332 : memref<4194304x16xf32, #tpu.memory_space<hbm>>) dst(%dma_wait3A_326 : memref<128x16xf32, #tpu.memory_space<vmem>>)
        %broadcast_in_dim3A_333 = arith.constant 0.000000e+00 : f32
        %broadcast_in_dim3A_334 = vector.broadcast %broadcast_in_dim3A_333 : f32 to vector<16xf32>
        %scan3A_335 = arith.constant 0 : i32
        %scan3A_336 = arith.constant 16 : i32
        %scan3A_337 = arith.addi %scan3A_335, %scan3A_336 : i32
        %scan3A_338 = arith.constant 1 : i32
        %scan3A_339:4 = scf.for %scan3A_351 = %scan3A_335 to %scan3A_337 step %scan3A_338 iter_args(%scan3A_352 = %broadcast_in_dim3A_334, %scan3A_353 = %broadcast_in_dim3A_334, %scan3A_354 = %broadcast_in_dim3A_334, %scan3A_355 = %broadcast_in_dim3A_334) -> (vector<16xf32>, vector<16xf32>, vector<16xf32>, vector<16xf32>)  : i32 {
          %mul3A_356 = arith.constant 8 : i32
          %mul3A_357 = arith.muli %scan3A_351, %mul3A_356 : i32
          %add3A_358 = arith.constant 0 : i32
          %add3A_359 = arith.addi %mul3A_357, %add3A_358 : i32
          %get3A_360 = arith.constant 3 : i32
          %get3A_361 = arith.index_cast %get3A_360 : i32 to index
          %get3A_362 = arith.index_cast %add3A_359 : i32 to index
          %get3A_363 = arith.constant 0 : index
          %get3A_364 = tpu.vector_load %arg9[%get3A_361, %get3A_362, %get3A_363] {strides = array<i32>} : memref<4x128x16xf32, #tpu.memory_space<vmem>>, vector<16xf32>,
          %add3A_365 = arith.addf %scan3A_352, %get3A_364 : vector<16xf32>
          %mul3A_366 = arith.constant 8 : i32
          %mul3A_367 = arith.muli %scan3A_351, %mul3A_366 : i32
          %add3A_368 = arith.constant 1 : i32
          %add3A_369 = arith.addi %mul3A_367, %add3A_368 : i32
          %get3A_370 = arith.constant 3 : i32
          %get3A_371 = arith.index_cast %get3A_370 : i32 to index
          %get3A_372 = arith.index_cast %add3A_369 : i32 to index
          %get3A_373 = arith.constant 0 : index
          %get3A_374 = tpu.vector_load %arg9[%get3A_371, %get3A_372, %get3A_373] {strides = array<i32>} : memref<4x128x16xf32, #tpu.memory_space<vmem>>, vector<16xf32>,
          %add3A_375 = arith.addf %scan3A_353, %get3A_374 : vector<16xf32>
          %mul3A_376 = arith.constant 8 : i32
          %mul3A_377 = arith.muli %scan3A_351, %mul3A_376 : i32
          %add3A_378 = arith.constant 2 : i32
          %add3A_379 = arith.addi %mul3A_377, %add3A_378 : i32
          %get3A_380 = arith.constant 3 : i32
          %get3A_381 = arith.index_cast %get3A_380 : i32 to index
          %get3A_382 = arith.index_cast %add3A_379 : i32 to index
          %get3A_383 = arith.constant 0 : index
          %get3A_384 = tpu.vector_load %arg9[%get3A_381, %get3A_382, %get3A_383] {strides = array<i32>} : memref<4x128x16xf32, #tpu.memory_space<vmem>>, vector<16xf32>,
          %add3A_385 = arith.addf %scan3A_354, %get3A_384 : vector<16xf32>
          %mul3A_386 = arith.constant 8 : i32
          %mul3A_387 = arith.muli %scan3A_351, %mul3A_386 : i32
          %add3A_388 = arith.constant 3 : i32
          %add3A_389 = arith.addi %mul3A_387, %add3A_388 : i32
          %get3A_390 = arith.constant 3 : i32
          %get3A_391 = arith.index_cast %get3A_390 : i32 to index
          %get3A_392 = arith.index_cast %add3A_389 : i32 to index
          %get3A_393 = arith.constant 0 : index
          %get3A_394 = tpu.vector_load %arg9[%get3A_391, %get3A_392, %get3A_393] {strides = array<i32>} : memref<4x128x16xf32, #tpu.memory_space<vmem>>, vector<16xf32>,
          %add3A_395 = arith.addf %scan3A_355, %get3A_394 : vector<16xf32>
          %mul3A_396 = arith.constant 8 : i32
          %mul3A_397 = arith.muli %scan3A_351, %mul3A_396 : i32
          %add3A_398 = arith.constant 4 : i32
          %add3A_399 = arith.addi %mul3A_397, %add3A_398 : i32
          %get3A_400 = arith.constant 3 : i32
          %get3A_401 = arith.index_cast %get3A_400 : i32 to index
          %get3A_402 = arith.index_cast %add3A_399 : i32 to index
          %get3A_403 = arith.constant 0 : index
          %get3A_404 = tpu.vector_load %arg9[%get3A_401, %get3A_402, %get3A_403] {strides = array<i32>} : memref<4x128x16xf32, #tpu.memory_space<vmem>>, vector<16xf32>,
          %add3A_405 = arith.addf %add3A_365, %get3A_404 : vector<16xf32>
          %mul3A_406 = arith.constant 8 : i32
          %mul3A_407 = arith.muli %scan3A_351, %mul3A_406 : i32
          %add3A_408 = arith.constant 5 : i32
          %add3A_409 = arith.addi %mul3A_407, %add3A_408 : i32
          %get3A_410 = arith.constant 3 : i32
          %get3A_411 = arith.index_cast %get3A_410 : i32 to index
          %get3A_412 = arith.index_cast %add3A_409 : i32 to index
          %get3A_413 = arith.constant 0 : index
          %get3A_414 = tpu.vector_load %arg9[%get3A_411, %get3A_412, %get3A_413] {strides = array<i32>} : memref<4x128x16xf32, #tpu.memory_space<vmem>>, vector<16xf32>,
          %add3A_415 = arith.addf %add3A_375, %get3A_414 : vector<16xf32>
          %mul3A_416 = arith.constant 8 : i32
          %mul3A_417 = arith.muli %scan3A_351, %mul3A_416 : i32
          %add3A_418 = arith.constant 6 : i32
          %add3A_419 = arith.addi %mul3A_417, %add3A_418 : i32
          %get3A_420 = arith.constant 3 : i32
          %get3A_421 = arith.index_cast %get3A_420 : i32 to index
          %get3A_422 = arith.index_cast %add3A_419 : i32 to index
          %get3A_423 = arith.constant 0 : index
          %get3A_424 = tpu.vector_load %arg9[%get3A_421, %get3A_422, %get3A_423] {strides = array<i32>} : memref<4x128x16xf32, #tpu.memory_space<vmem>>, vector<16xf32>,
          %add3A_425 = arith.addf %add3A_385, %get3A_424 : vector<16xf32>
          %mul3A_426 = arith.constant 8 : i32
          %mul3A_427 = arith.muli %scan3A_351, %mul3A_426 : i32
          %add3A_428 = arith.constant 7 : i32
          %add3A_429 = arith.addi %mul3A_427, %add3A_428 : i32
          %get3A_430 = arith.constant 3 : i32
          %get3A_431 = arith.index_cast %get3A_430 : i32 to index
          %get3A_432 = arith.index_cast %add3A_429 : i32 to index
          %get3A_433 = arith.constant 0 : index
          %get3A_434 = tpu.vector_load %arg9[%get3A_431, %get3A_432, %get3A_433] {strides = array<i32>} : memref<4x128x16xf32, #tpu.memory_space<vmem>>, vector<16xf32>,
          %add3A_435 = arith.addf %add3A_395, %get3A_434 : vector<16xf32>
          scf.yield %add3A_405, %add3A_415, %add3A_425, %add3A_435 : vector<16xf32>, vector<16xf32>, vector<16xf32>, vector<16xf32>
        }
        %scan3A_340 = arith.constant 16 : i32
        %add3A_341 = arith.addf %scan3A_339#0, %scan3A_339#1 : vector<16xf32>
        %add3A_342 = arith.addf %scan3A_339#2, %scan3A_339#3 : vector<16xf32>
        %add3A_343 = arith.addf %add3A_341, %add3A_342 : vector<16xf32>
        %shift_right_arithmetic3A_344 = arith.constant 3 : i32
        %shift_right_arithmetic3A_345 = arith.shrsi %add3A_314, %shift_right_arithmetic3A_344 : i32
        %mul3A_346 = arith.constant 16 : i32
        %mul3A_347 = arith.muli %shift_right_arithmetic3A_345, %mul3A_346 : i32
        %swap3A_348 = arith.index_cast %scan3A_21 : i32 to index
        %swap3A_349 = arith.index_cast %mul3A_347 : i32 to index
        %swap3A_350 = tpu.vector_load %arg10[%swap3A_348, %swap3A_349] {strides = array<i32>} : memref<16x128xf32, #tpu.memory_space<vmem>>, vector<16xf32>,
        tpu.vector_store %arg10[%swap3A_348, %swap3A_349], %add3A_343 {add = true, strides = array<i32>} : memref<16x128xf32, #tpu.memory_space<vmem>>, vector<16xf32>,
      }
      %scan3A_119 = arith.constant 16 : i32
      %get3A = arith.index_cast %scan3A_21 : i32 to index
      %get3A_120 = arith.constant 0 : index
      %get3A_121 = tpu.vector_load %arg10[%get3A, %get3A_120] {strides = array<i32>} : memref<16x128xf32, #tpu.memory_space<vmem>>, vector<16xf32>,
      %mul3A_122 = arith.constant 0.0833333358 : f32
      %mul3A_123 = vector.broadcast %mul3A_122 : f32 to vector<16xf32>
      %mul3A_124 = arith.mulf %get3A_121, %mul3A_123 : vector<16xf32>
      %swap3A_125 = arith.index_cast %scan3A_21 : i32 to index
      %swap3A_126 = arith.constant 0 : index
      %swap3A_127 = tpu.vector_load %arg10[%swap3A_125, %swap3A_126] {strides = array<i32>} : memref<16x128xf32, #tpu.memory_space<vmem>>, vector<16xf32>,
      tpu.vector_store %arg10[%swap3A_125, %swap3A_126], %mul3A_124 {strides = array<i32>} : memref<16x128xf32, #tpu.memory_space<vmem>>, vector<16xf32>,
      %get3A_128 = arith.index_cast %scan3A_21 : i32 to index
      %get3A_129 = arith.constant 16 : index
      %get3A_130 = tpu.vector_load %arg10[%get3A_128, %get3A_129] {strides = array<i32>} : memref<16x128xf32, #tpu.memory_space<vmem>>, vector<16xf32>,
      %mul3A_131 = arith.constant 0.0833333358 : f32
      %mul3A_132 = vector.broadcast %mul3A_131 : f32 to vector<16xf32>
      %mul3A_133 = arith.mulf %get3A_130, %mul3A_132 : vector<16xf32>
      %swap3A_134 = arith.index_cast %scan3A_21 : i32 to index
      %swap3A_135 = arith.constant 16 : index
      %swap3A_136 = tpu.vector_load %arg10[%swap3A_134, %swap3A_135] {strides = array<i32>} : memref<16x128xf32, #tpu.memory_space<vmem>>, vector<16xf32>,
      tpu.vector_store %arg10[%swap3A_134, %swap3A_135], %mul3A_133 {strides = array<i32>} : memref<16x128xf32, #tpu.memory_space<vmem>>, vector<16xf32>,
      %get3A_137 = arith.index_cast %scan3A_21 : i32 to index
      %get3A_138 = arith.constant 32 : index
      %get3A_139 = tpu.vector_load %arg10[%get3A_137, %get3A_138] {strides = array<i32>} : memref<16x128xf32, #tpu.memory_space<vmem>>, vector<16xf32>,
      %mul3A_140 = arith.constant 0.0833333358 : f32
      %mul3A_141 = vector.broadcast %mul3A_140 : f32 to vector<16xf32>
      %mul3A_142 = arith.mulf %get3A_139, %mul3A_141 : vector<16xf32>
      %swap3A_143 = arith.index_cast %scan3A_21 : i32 to index
      %swap3A_144 = arith.constant 32 : index
      %swap3A_145 = tpu.vector_load %arg10[%swap3A_143, %swap3A_144] {strides = array<i32>} : memref<16x128xf32, #tpu.memory_space<vmem>>, vector<16xf32>,
      tpu.vector_store %arg10[%swap3A_143, %swap3A_144], %mul3A_142 {strides = array<i32>} : memref<16x128xf32, #tpu.memory_space<vmem>>, vector<16xf32>,
      %get3A_146 = arith.index_cast %scan3A_21 : i32 to index
      %get3A_147 = arith.constant 48 : index
      %get3A_148 = tpu.vector_load %arg10[%get3A_146, %get3A_147] {strides = array<i32>} : memref<16x128xf32, #tpu.memory_space<vmem>>, vector<16xf32>,
      %mul3A_149 = arith.constant 0.0833333358 : f32
      %mul3A_150 = vector.broadcast %mul3A_149 : f32 to vector<16xf32>
      %mul3A_151 = arith.mulf %get3A_148, %mul3A_150 : vector<16xf32>
      %swap3A_152 = arith.index_cast %scan3A_21 : i32 to index
      %swap3A_153 = arith.constant 48 : index
      %swap3A_154 = tpu.vector_load %arg10[%swap3A_152, %swap3A_153] {strides = array<i32>} : memref<16x128xf32, #tpu.memory_space<vmem>>, vector<16xf32>,
      tpu.vector_store %arg10[%swap3A_152, %swap3A_153], %mul3A_151 {strides = array<i32>} : memref<16x128xf32, #tpu.memory_space<vmem>>, vector<16xf32>,
      %get3A_155 = arith.index_cast %scan3A_21 : i32 to index
      %get3A_156 = arith.constant 64 : index
      %get3A_157 = tpu.vector_load %arg10[%get3A_155, %get3A_156] {strides = array<i32>} : memref<16x128xf32, #tpu.memory_space<vmem>>, vector<16xf32>,
      %mul3A_158 = arith.constant 0.0833333358 : f32
      %mul3A_159 = vector.broadcast %mul3A_158 : f32 to vector<16xf32>
      %mul3A_160 = arith.mulf %get3A_157, %mul3A_159 : vector<16xf32>
      %swap3A_161 = arith.index_cast %scan3A_21 : i32 to index
      %swap3A_162 = arith.constant 64 : index
      %swap3A_163 = tpu.vector_load %arg10[%swap3A_161, %swap3A_162] {strides = array<i32>} : memref<16x128xf32, #tpu.memory_space<vmem>>, vector<16xf32>,
      tpu.vector_store %arg10[%swap3A_161, %swap3A_162], %mul3A_160 {strides = array<i32>} : memref<16x128xf32, #tpu.memory_space<vmem>>, vector<16xf32>,
      %get3A_164 = arith.index_cast %scan3A_21 : i32 to index
      %get3A_165 = arith.constant 80 : index
      %get3A_166 = tpu.vector_load %arg10[%get3A_164, %get3A_165] {strides = array<i32>} : memref<16x128xf32, #tpu.memory_space<vmem>>, vector<16xf32>,
      %mul3A_167 = arith.constant 0.0833333358 : f32
      %mul3A_168 = vector.broadcast %mul3A_167 : f32 to vector<16xf32>
      %mul3A_169 = arith.mulf %get3A_166, %mul3A_168 : vector<16xf32>
      %swap3A_170 = arith.index_cast %scan3A_21 : i32 to index
      %swap3A_171 = arith.constant 80 : index
      %swap3A_172 = tpu.vector_load %arg10[%swap3A_170, %swap3A_171] {strides = array<i32>} : memref<16x128xf32, #tpu.memory_space<vmem>>, vector<16xf32>,
      tpu.vector_store %arg10[%swap3A_170, %swap3A_171], %mul3A_169 {strides = array<i32>} : memref<16x128xf32, #tpu.memory_space<vmem>>, vector<16xf32>,
      %get3A_173 = arith.index_cast %scan3A_21 : i32 to index
      %get3A_174 = arith.constant 96 : index
      %get3A_175 = tpu.vector_load %arg10[%get3A_173, %get3A_174] {strides = array<i32>} : memref<16x128xf32, #tpu.memory_space<vmem>>, vector<16xf32>,
      %mul3A_176 = arith.constant 0.0833333358 : f32
      %mul3A_177 = vector.broadcast %mul3A_176 : f32 to vector<16xf32>
      %mul3A_178 = arith.mulf %get3A_175, %mul3A_177 : vector<16xf32>
      %swap3A_179 = arith.index_cast %scan3A_21 : i32 to index
      %swap3A_180 = arith.constant 96 : index
      %swap3A_181 = tpu.vector_load %arg10[%swap3A_179, %swap3A_180] {strides = array<i32>} : memref<16x128xf32, #tpu.memory_space<vmem>>, vector<16xf32>,
      tpu.vector_store %arg10[%swap3A_179, %swap3A_180], %mul3A_178 {strides = array<i32>} : memref<16x128xf32, #tpu.memory_space<vmem>>, vector<16xf32>,
      %get3A_182 = arith.index_cast %scan3A_21 : i32 to index
      %get3A_183 = arith.constant 112 : index
      %get3A_184 = tpu.vector_load %arg10[%get3A_182, %get3A_183] {strides = array<i32>} : memref<16x128xf32, #tpu.memory_space<vmem>>, vector<16xf32>,
      %mul3A_185 = arith.constant 0.0833333358 : f32
      %mul3A_186 = vector.broadcast %mul3A_185 : f32 to vector<16xf32>
      %mul3A_187 = arith.mulf %get3A_184, %mul3A_186 : vector<16xf32>
      %swap3A_188 = arith.index_cast %scan3A_21 : i32 to index
      %swap3A_189 = arith.constant 112 : index
      %swap3A_190 = tpu.vector_load %arg10[%swap3A_188, %swap3A_189] {strides = array<i32>} : memref<16x128xf32, #tpu.memory_space<vmem>>, vector<16xf32>,
      tpu.vector_store %arg10[%swap3A_188, %swap3A_189], %mul3A_187 {strides = array<i32>} : memref<16x128xf32, #tpu.memory_space<vmem>>, vector<16xf32>,
    }
    %scan3A_18 = arith.constant 16 : i32
    %mul3A_19 = arith.constant 16 : i32
    %mul3A_20 = arith.muli %add3A, %mul3A_19 : i32
    "tpu.region"() ({
      %run_scoped3A = tpu.sem_alloc : memref<!tpu.dma_semaphore, #tpu.memory_space<semaphore_mem>>
      %dma_start3A_21 = arith.constant 0 : i32
      %dma_start3A_22 = tpu.memref_slice %arg5[%mul3A_20, %dma_start3A_21] : memref<512x128xf32, #tpu.memory_space<hbm>> -> memref<16x128xf32, #tpu.memory_space<hbm>>
      %dma_start3A_23 = arith.constant 0 : i32
      %dma_start3A_24 = tpu.memref_slice %arg5[%mul3A_20, %dma_start3A_23] : memref<512x128xf32, #tpu.memory_space<hbm>> -> memref<16x128xf32, #tpu.memory_space<hbm>>
      tpu.enqueue_dma source(%arg10 : memref<16x128xf32, #tpu.memory_space<vmem>>) target(%dma_start3A_24 : memref<16x128xf32, #tpu.memory_space<hbm>>) target_semaphore(%run_scoped3A : memref<!tpu.dma_semaphore, #tpu.memory_space<semaphore_mem>>)
      %dma_wait3A = arith.constant 0 : i32
      %dma_wait3A_25 = tpu.memref_slice %arg5[%mul3A_20, %dma_wait3A] : memref<512x128xf32, #tpu.memory_space<hbm>> -> memref<16x128xf32, #tpu.memory_space<hbm>>
      %dma_wait3A_26 = arith.constant 0 : i32
      %dma_wait3A_27 = tpu.memref_slice %arg5[%mul3A_20, %dma_wait3A_26] : memref<512x128xf32, #tpu.memory_space<hbm>> -> memref<16x128xf32, #tpu.memory_space<hbm>>
      tpu.wait_dma2 semaphore(%run_scoped3A : memref<!tpu.dma_semaphore, #tpu.memory_space<semaphore_mem>>) src(%arg10 : memref<16x128xf32, #tpu.memory_space<vmem>>) dst(%dma_wait3A_27 : memref<16x128xf32, #tpu.memory_space<hbm>>)
      tpu.yield
    }) : () -> ()
    return
  }
}

</mosaic_0001>

<sc_bundles>
// kernel: kernel.3.cloned.1.call-start
scs
__scs_entry_jumppad:
0x0: {  	(pc) =	sbr.rel $0x88, $3  }
0x1: {  	(tag) =	ssettag $0x0;
	lr =	simm.s32 $0x1  }
0x2: {  	[smem:$0x3F9E] =	sst lr;
	_ =	strace $0xD0000000  }
0x3: {  	_ = 	snop  }
0x4: {  	_ = 	snop  }
0x5: {  	_ = 	snop  }
0x6: {  	_ = 	snop  }
0x7: {  	_ = 	snop  }
__scs_overlays_trampoline_lowered:
0x8: {  	[smem:$0x3FAD] =	sst s0  }
0x9: {  	[smem:$0x3FAE] =	sst s1  }
0xa: {  	[smem:$0x3FAF] =	sst s2  }
0xb: {  	[smem:$0x3FB0] =	sst s3  }
0xc: {  	[smem:$0x3FB1] =	sst s4  }
0xd: {  	[smem:$0x3FB2] =	sst s5  }
0xe: {  	[smem:$0x3FB3] =	sst s6  }
0xf: {  	[smem:$0x3FB4] =	sst s7  }
0x10: {  	[smem:$0x3FB5] =	sst s8  }
0x11: {  	[smem:$0x3FB6] =	sst s9;
	s0 =	simm.s32 @!p0 $0x0  }
0x12: {  	s1 =	sld [smem:$0x3F9C];
	s0 =	simm.s32 @p0 $0x1  }
0x13: {  	[smem:$0x3FB7] =	sst s0;
	s0 =	simm.s32 @!p1 $0x0  }
0x14: {  	s2 =	sld [smem:$0x3F9B];
	s0 =	simm.s32 @p1 $0x1  }
0x15: {  	[smem:$0x3FB8] =	sst s0;
	s0 =	simm.s32 @!p2 $0x0  }
0x16: {  	s3 =	sld [smem:$0x3FDB];
	s0 =	simm.s32 @p2 $0x1  }
0x17: {  	s4 =	simm.s32 $0x1BF5;
	[smem:$0x3FBA] =	sst s0  }
0x18: {  	s0 =	sld [smem:$0x3F9D];
	_ =	swait.ge [sflag:s4], $0x0  }
0x19: {  	s7 =	sld [smem:$0x3F9E]  }
0x1a: {  	s8 =	sadd.s32 $0xFFFFE003, lr  }
0x1b: {  	s9 =	sadd.s32 $0xFFFFFEF7, lr;
	s5 =	simm.s32 $0xFFFFFFFF;
	p2 =	slt.u32 s8, $0xFFFFF086  }
0x1c: {  	p1 =	slt.u32 s9, $0xF7A;
	s5 =	simm.s32 @!p2 $0x0  }
0x1d: {  	s5 =	simm.s32 @p1 $0x1;
	p0 =	seq.s32 s7, s2  }
0x1e: {  	s7 =	smul.u32 @!p0 $0xF7A, s2;
	p2 =	seq.s32 @!p0 s5, $0x0  }
0x1f: {  	s9 =	smul.u32 $0xF7A, s1;
	s8 =	simm.s32 @!p0 $0x1BF5;
	p2 =	por !p2, p0  }
0x20: {  	[sflag:s8] =	ssyncset.s32 @!p0 $0xFFFFF086;
	s6 =	sadd.s32 @!p0 s3, s7;
	s7 =	simm.s32 @!p0 $0x108  }
0x21: {  	s3 =	sadd.s32 s3, s9;
	s6 =	sadd.s32 @!p0 $0x88, s6;
	s7 =	simm.s32 @p2 $0x1082  }
0x22: {  	[simem:s7], [sflag:s8] =	dma.local @!p0 [hbm:s6], $0xF7A  }
0x23: {  	s9 =	sor.u32 $0xD0000000, s2;
	s6 =	simm.s32 $0x108;
	_ =	swait.ge @!p0 [sflag:s8], $0x0  }
0x24: {  	s3 =	sadd.s32 $0x88, s3;
	s6 =	simm.s32 @!p1 $0x1082;
	[sflag:s4] =	ssyncset.s32 $0xFFFFF086  }
0x25: {  	[simem:s6], [sflag:s4] =	dma.local [hbm:s3], $0xF7A  }
0x26: {  	[smem:$0x3F9E] =	sst s1;
	(tag) =	ssettag s2;
	_ =	strace s9  }
0x27: {  	s1 =	sld [smem:$0x3FAE]  }
0x28: {  	s2 =	sld [smem:$0x3FAF]  }
0x29: {  	s4 =	sld [smem:$0x3FB1]  }
0x2a: {  	p0 =	seq.s32 s5, $0x0;
	s5 =	sld [smem:$0x3FB2]  }
0x2b: {  	s6 =	sld [smem:$0x3FB3]  }
0x2c: {  	s7 =	sld [smem:$0x3FB4]  }
0x2d: {  	s3 =	simm.s32 $0x108;
	s8 =	sld [smem:$0x3FB5]  }
0x2e: {  	s3 =	simm.s32 @!p0 $0x1082;
	s9 =	sld [smem:$0x3FB6]  }
0x2f: {  	lr =	sadd.s32 s0, s3;
	s0 =	sld [smem:$0x3FAD]  }
0x30: {  	s3 =	sld [smem:$0x3FB0]  }
0x31: {  	[smem:$0x3FB9] =	sst s10  }
0x32: {  	s10 =	sld [smem:$0x3FB7];
	_ =	sdelay $0x3  }
0x33: {  	p0 =	seq.s32 s10, $0x1;
	s10 =	sld [smem:$0x3FB9];
	_ =	sdelay $0x3  }
0x34: {  	[smem:$0x3FB9] =	sst s10  }
0x35: {  	s10 =	sld [smem:$0x3FB8];
	_ =	sdelay $0x3  }
0x36: {  	p1 =	seq.s32 s10, $0x1;
	s10 =	sld [smem:$0x3FB9];
	_ =	sdelay $0x3  }
0x37: {  	[smem:$0x3FB9] =	sst s10  }
0x38: {  	s10 =	sld [smem:$0x3FBA]  }
0x39: {  	_ = 	snop;
	(pc) =	sbr.ind lr, $3  }
0x3a: {  	_ = 	snop  }
0x3b: {  	_ = 	snop  }
0x3c: {  	p2 =	seq.s32 s10, $0x1;
	s10 =	sld [smem:$0x3FB9]  }
0x3d: {  	_ =	shalt  }
0x3e: {  	_ =	shalt  }
0x3f: {  	_ =	shalt  }
0x40: {  	_ =	shalt  }
0x41: {  	_ =	shalt  }
0x42: {  	_ =	shalt  }
0x43: {  	_ =	shalt  }
0x44: {  	_ =	shalt  }
0x45: {  	_ =	shalt  }
0x46: {  	_ =	shalt  }
0x47: {  	_ =	shalt  }
0x48: {  	_ =	shalt  }
0x49: {  	_ =	shalt  }
0x4a: {  	_ =	shalt  }
0x4b: {  	_ =	shalt  }
0x4c: {  	_ =	shalt  }
0x4d: {  	_ =	shalt  }
0x4e: {  	_ =	shalt  }
0x4f: {  	_ =	shalt  }
0x50: {  	_ =	shalt  }
0x51: {  	_ =	shalt  }
0x52: {  	_ =	shalt  }
0x53: {  	_ =	shalt  }
0x54: {  	_ =	shalt  }
0x55: {  	_ =	shalt  }
0x56: {  	_ =	shalt  }
0x57: {  	_ =	shalt  }
0x58: {  	_ =	shalt  }
0x59: {  	_ =	shalt  }
0x5a: {  	_ =	shalt  }
0x5b: {  	_ =	shalt  }
0x5c: {  	_ =	shalt  }
0x5d: {  	_ =	shalt  }
0x5e: {  	_ =	shalt  }
0x5f: {  	_ =	shalt  }
0x60: {  	_ =	shalt  }
0x61: {  	_ =	shalt  }
0x62: {  	_ =	shalt  }
0x63: {  	_ =	shalt  }
0x64: {  	_ =	shalt  }
0x65: {  	_ =	shalt  }
0x66: {  	_ =	shalt  }
0x67: {  	_ =	shalt  }
0x68: {  	_ =	shalt  }
0x69: {  	_ =	shalt  }
0x6a: {  	_ =	shalt  }
0x6b: {  	_ =	shalt  }
0x6c: {  	_ =	shalt  }
0x6d: {  	_ =	shalt  }
0x6e: {  	_ =	shalt  }
0x6f: {  	_ =	shalt  }
0x70: {  	_ =	shalt  }
0x71: {  	_ =	shalt  }
0x72: {  	_ =	shalt  }
0x73: {  	_ =	shalt  }
0x74: {  	_ =	shalt  }
0x75: {  	_ =	shalt  }
0x76: {  	_ =	shalt  }
0x77: {  	_ =	shalt  }
0x78: {  	_ =	shalt  }
0x79: {  	_ =	shalt  }
0x7a: {  	_ =	shalt  }
0x7b: {  	_ =	shalt  }
0x7c: {  	_ =	shalt  }
0x7d: {  	_ =	shalt  }
0x7e: {  	_ =	shalt  }
0x7f: {  	_ =	shalt  }
0x80: {  	_ =	shalt  }
0x81: {  	_ =	shalt  }
0x82: {  	_ =	shalt  }
0x83: {  	_ =	shalt  }
0x84: {  	_ =	shalt  }
0x85: {  	_ =	shalt  }
0x86: {  	_ =	shalt  }
0x87: {  	_ =	shalt  }
.Lfunc_end0:
.L_simem_size_0:
called_computation_lowered:
.L_overlay_start_0:
0x88: {  	s2 =	sld [smem:$0x3FD9]  }
0x89: {  	s3 =	sld [smem:$0x3FFE];
	_ =	sdelay $0x1  }
0x8a: {  	s1 =	srdreg.scid  }
0x8b: {  	s0 =	sand.u32 $0x1, s1  }
0x8c: {  	s17 =	sshll.u32 s0, $0xA;
	s2 =	sadd.s32 s3, s2  }
0x8d: {  	s2 =	sadd.s32 s2, s17  }
0x8e: {  	[smem:$0x3FC5] =	sst s2  }
0x8f: {  	_ = 	snop  }
0x90: {  	s2 =	sld [smem:$0x3FC9]  }
0x91: {  	s18 =	sld [smem:$0x3FD0];
	(tm) =	ssettm $0x1  }
0x92: {  	s4 =	sld [smem:$0x3FFB];
	_ =	sdelay $0x3  }
0x93: {  	_ =	strace s4  }
0x94: {  	s4 =	sld [smem:$0x3FFC];
	_ =	sdelay $0x3  }
0x95: {  	_ =	strace s4  }
0x96: {  	s4 =	sld [smem:$0x3FFD];
	_ =	sdelay $0x3  }
0x97: {  	_ =	strace s4  }
0x98: {  	_ =	strace $0x8FFFFFFF  }
0x99: {  	s19 =	sld [smem:$0x3FDB];
	_ =	sdelay $0x1  }
0x9a: {  	s5 =	simm.s32 $_scs_section_size  }
0x9b: {  	s6 =	simm.s32 $_size__tile_overlayer_lowered;
	s7 =	simm.s32 $_tile_overlayer_lowered  }
0x9c: {  	s22 =	simm.s32 $0x1BFF;
	s21 =	sshll.u32 s7, $0x1;
	s4 =	sadd.s32 s5, s19  }
0x9d: {  	s8 =	simm.s32 $0x0;
	s20 =	sshll.u32 s6, $0x1;
	s6 =	sadd.s32 s21, s4  }
0x9e: {  	[timem:s8], [sflag:s22] =	dma.local [hbm:s6], s20  }
0x9f: {  	_ =	swait.ge [sflag:s22], s20  }
0xa0: {  	s5 =	ssub.s32 $0x0, s20;
	[sflag:s22] =	ssyncset.done $0x0  }
0xa1: {  	[sflag:s22] =	ssyncadd.s32 s5;
	_ =	sdelay $0x1  }
0xa2: {  	s23 =	simm.s32 $0x1B8B  }
0xa3: {  	_ =	swait.ge [sflag:s23], $0x1  }
0xa4: {  	[sflag:s23] =	ssyncset.done $0x0  }
0xa5: {  	s25 =	simm.s32 $0x1B8E;
	s24 =	sld [smem:$0x3FFE];
	[sflag:s23] =	ssyncadd.s32 $0xFFFFFFFF  }
0xa6: {  	s26 =	simm.s32 $execute0_lowered;
	[smem:$0x3FD2] =	sst s25  }
0xa7: {  	s6 =	sshll.u32 s26, $0x1;
	_ =	strace $0x80000046;
	[dreg:$0x1] =	wrdreg $0xFFFFFFFF  }
0xa8: {  	s28 =	simm.s32 $_size_execute0_lowered;
	s4 =	sadd.s32 s4, s6;
	[dreg:$0x0] =	wrdreg $0x0  }
0xa9: {  	s6 =	sshll.u32 s28, $0x1;
	[dreg:$0x2] =	wrdreg s4  }
0xaa: {  	[dreg:$0x3] =	wrdreg s6  }
0xab: {  	[dreg:$0x4] =	wrdreg $0xC0  }
0xac: {  	_ =	task [dreg:s8], $0x5FFFF  }
0xad: {  	[dreg:$0x1] =	wrdreg $0xFFFFFFFF  }
0xae: {  	[dreg:$0x0] =	wrdreg $0x60  }
0xaf: {  	[dreg:$0x2] =	wrdreg s2  }
0xb0: {  	[dreg:$0x3] =	wrdreg s24  }
0xb1: {  	[dreg:$0x4] =	wrdreg s18  }
0xb2: {  	[dreg:$0x5] =	wrdreg $0x9  }
0xb3: {  	_ =	task.clear_ibuf [dreg:s8], $0x6FFFF;
	_ =	strace $0x90000046  }
0xb4: {  	s29 =	simm.s32 $0x9;
	_ =	strace $0x80000048  }
0xb5: {  	_ =	swait.ge [sflag:s29], $0x1  }
0xb6: {  	[sflag:s29] =	ssyncadd.s32 $0xFFFFFFFF  }
0xb7: {  	_ =	strace $0x90000048  }
0xb8: {  	_ =	sfence  }
0xb9: {  	s30 =	sld [smem:$0x0];
	_ =	sdelay $0x2  }
0xba: {  	s31 =	sshll.u32 s1, $0xD;
	s1 =	sshrl.u32 s1, $0x2  }
0xbb: {  	s3 =	sand.u32 $0x4000, s31;
	s1 =	sadd.s32 s1, s30  }
0xbc: {  	s0 =	sor.u32 s3, s0;
	s1 =	sshll.u32 s1, $0x11  }
0xbd: {  	s0 =	sor.u32 s1, s0  }
0xbe: {  	s0 =	sadd.s32 $0x8F2B, s0  }
0xbf: {  	[sflag:s0] =	ssyncadd.remote.s32 $0x1  }
0xc0: {  	_ =	sfence.sel $0xFFFF  }
0xc1: {  	[dreg:$0x0] =	wrdreg $0xFFFFFFFF;
	(pc) =	sbr.abs _section_cstart, $3  }
0xc2: {  	[dreg:$0x1] =	wrdreg $0xFFFFFFFF  }
0xc3: {  	_ =	task.clear_ibuf [dreg:s8], $0x2FFFF;
	_ =	strace $0x9FFFFFFF  }
0xc4: {  	(tm) =	ssettm $0x7FFFFFFF  }
0xc5: {  	_ =	shalt  }
tec
execute0_lowered:
.L_overlay_start_1:
0x0: {  	(tag) =	ssettag $0x1  }
0x1: {  	s1 =	rddreg [dreg:$0x0]  }
0x2: {  	s0 =	rddreg [dreg:$0x1]  }
0x3: {  	s2 =	rddreg [dreg:$0x2];
	s4 =	srdreg.scid  }
0x4: {  	s3 =	simm.s32 $0x0;
	s6 =	stileid.u32;
	s10 =	simm.s32 $0x6  }
0x5: {  	s11 =	simm.s32 $0x3000;
	s12 =	simm.s32 $0x1;
	s13 =	simm.s32 $0x80  }
0x6: {  	s14 =	simm.s32 $0x1B000;
	s15 =	simm.s32 $0x1D000;
	s16 =	simm.s32 $0x1B080  }
0x7: {  	s17 =	simm.s32 $0x1D800;
	s18 =	simm.s32 $0x1B100;
	s19 =	simm.s32 $0x1E000  }
0x8: {  	s20 =	simm.s32 $0x1E800;
	s21 =	simm.s32 $0x2;
	s22 =	simm.s32 $0x3  }
0x9: {  	s23 =	simm.s32 $0x4;
	s24 =	simm.s32 $0x5;
	s5 =	sand.u32 $0x1, s4  }
0xa: {  	[smem:$0x7FF] =	sst s3;
	s26 =	sshll.u32 s6, $0x5;
	s28 =	sshll.u32 s5, $0x4  }
0xb: {  	s29 =	sadd.s32 $0x600, s0;
	s6 =	sadd.s32 $0x4000600, s0;
	s4 =	sor.u32 s28, s26  }
0xc: {  	_ =	strace $0x80000047;
	s5 =	ssub.s32 $0x2, s5;
	s7 =	smul.u32 $0x3000, s4  }
0xd: {  	[dreg:$0x4] =	wrdreg s29;
	s30 =	sshrl.u32 s5, $0x1;
	s26 =	simm.s32 $0x0  }
0xe: {  	v0 =	vlaneseq.u32;
	s8 =	sshll.u32 s4, $0x4;
	s0 =	ssub.s32 s5, s30;
	s31 =	sadd.s32 s1, s7  }
0xf: {  	v1 =	vimm.f32 $0.0e+00;
	v0 =	vmul.u32 $0x1000, v0;
	s8 =	sadd.s32 s2, s8;
	s9 =	smax.u32 s0, $0x1;
	[dreg:$0x5] =	wrdreg s31  }
.LBB2_1:
0x10: {  	s0 =	rddreg [dreg:$0x4]  }
0x11: {  	[tilespmem:s3], [sflag:$0x6] =	stream.linear.gather [hbm4b:s0+s3], $0x3000, $0x38;
	[tilespmem:$0x1F800] =	vst v63  }
0x12: {  	_ =	swait.ge [sflag:s10], $0x3000  }
0x13: {  	[sflag:s10] =	ssyncset.done $0x0  }
0x14: {  	s28 =	simm.s32 $0x0;
	s31 =	rddreg [dreg:$0x5];
	[sflag:s10] =	ssyncadd.s32 $0xFFFFD000  }
0x15: {  	[tilespmem:s11], [sflag:$0x1] =	stream.linear.gather [hbm4b:s31+s3], $0x18000, $0x38;
	[tilespmem:$0x1F800] =	vst v63  }
.LBB2_2:
0x16: {  	_ =	swait.ge [sflag:s12], $0x18000  }
0x17: {  	s29 =	simm.s32 $0x0;
	[sflag:s12] =	ssyncset.done $0x0  }
0x18: {  	s30 =	simm.s32 $0x0;
	s31 =	simm.s32 $0x0;
	[sflag:s12] =	ssyncadd.s32 $0xFFFE8000  }
.LBB2_3:
0x19: {  	s0 =	sshra.s32 s31, $0x2  }
0x1a: {  	v2 =	vld [tilespmem:s0+$0x0]  }
0x1b: {  	v3 =	vld [tilespmem:s0+$0x400]  }
0x1c: {  	v4 =	vld [tilespmem:s0+$0x800]  }
0x1d: {  	v5 =	vld [tilespmem:s0+$0xC00]  }
0x1e: {  	v9 =	vld [tilespmem:s0+$0x1000]  }
0x1f: {  	v32 =	vld [tilespmem:s0+$0x1400]  }
0x20: {  	v11 =	vld [tilespmem:s0+$0x1800];
	v6 =	vand.u32 $0xFFF8, v2;
	v7 =	vshra.s32 v2, $0x9  }
0x21: {  	v37 =	vld [tilespmem:s0+$0x1C00];
	v2 =	vand.u32 $0x7, v2;
	v8 =	vshra.s32 v3, $0x9;
	v30 =	vand.u32 $0xFFF8, v3  }
0x22: {  	v13 =	vld [tilespmem:s0+$0x2000];
	v3 =	vand.u32 $0x7, v3;
	v33 =	vand.u32 $0xFFF8, v4;
	v34 =	vshra.s32 v4, $0x9  }
0x23: {  	v41 =	vld [tilespmem:s0+$0x2400];
	v4 =	vand.u32 $0x7, v4;
	v10 =	vshra.s32 v5, $0x9;
	v35 =	vand.u32 $0xFFF8, v5  }
0x24: {  	v15 =	vld [tilespmem:s0+$0x2800];
	v5 =	vand.u32 $0x7, v5;
	v38 =	vand.u32 $0xFFF8, v9;
	v39 =	vshra.s32 v9, $0x9  }
0x25: {  	v45 =	vld [tilespmem:s0+$0x2C00];
	v9 =	vand.u32 $0x7, v9;
	v12 =	vshra.s32 v32, $0x9;
	v40 =	vand.u32 $0xFFF8, v32  }
0x26: {  	v42 =	vand.u32 $0xFFF8, v11;
	v43 =	vshra.s32 v11, $0x9;
	v11 =	vand.u32 $0x7, v11  }
0x27: {  	v14 =	vshra.s32 v37, $0x9;
	v44 =	vand.u32 $0xFFF8, v37;
	v46 =	vand.u32 $0xFFF8, v13  }
0x28: {  	v47 =	vshra.s32 v13, $0x9;
	v13 =	vand.u32 $0x7, v13;
	v16 =	vshra.s32 v41, $0x9  }
0x29: {  	v48 =	vand.u32 $0xFFF8, v41;
	v50 =	vand.u32 $0xFFF8, v15;
	v51 =	vshra.s32 v15, $0x9  }
0x2a: {  	v15 =	vand.u32 $0x7, v15;
	v20 =	vshra.s32 v45, $0x9;
	v52 =	vand.u32 $0xFFF8, v45  }
0x2b: {  	v7 =	vand.u32 $0xFFFFFF80, v7;
	v8 =	vand.u32 $0xFFFFFF80, v8;
	v10 =	vand.u32 $0xFFFFFF80, v10  }
0x2c: {  	v12 =	vand.u32 $0xFFFFFF80, v12;
	v14 =	vand.u32 $0xFFFFFF80, v14;
	v6 =	vadd.s32 v6, v7  }
0x2d: {  	v31 =	vadd.s32 v30, v8;
	v8 =	vand.u32 $0xFFFFFF80, v34;
	v2 =	vor.u32 v2, v6  }
0x2e: {  	v16 =	vand.u32 $0xFFFFFF80, v16;
	v3 =	vor.u32 v3, v31;
	v6 =	vadd.s32 v33, v8  }
0x2f: {  	v36 =	vadd.s32 v35, v10;
	v8 =	vand.u32 $0xFFFFFF80, v39;
	v4 =	vor.u32 v4, v6  }
0x30: {  	v7 =	vand.u32 $0x7, v32;
	v5 =	vor.u32 v5, v36;
	v6 =	vadd.s32 v38, v8  }
0x31: {  	v8 =	vadd.s32 v40, v12;
	v6 =	vor.u32 v9, v6;
	v9 =	vand.u32 $0xFFFFFF80, v43  }
0x32: {  	v10 =	vand.u32 $0x7, v37;
	v7 =	vor.u32 v7, v8;
	v8 =	vadd.s32 v42, v9;
	v17 =	vld.idx.msk [tilespmem:v2+s11+$0x0], $0xffff  }
0x33: {  	v9 =	vadd.s32 v44, v14;
	v8 =	vor.u32 v11, v8;
	v11 =	vand.u32 $0xFFFFFF80, v47;
	v18 =	vld.idx.msk [tilespmem:v3+s11+$0x0], $0xffff  }
0x34: {  	v12 =	vand.u32 $0x7, v41;
	v9 =	vor.u32 v10, v9;
	v10 =	vadd.s32 v46, v11;
	v49 =	vld.idx.msk [tilespmem:v4+s11+$0x0], $0xffff  }
0x35: {  	v11 =	vadd.s32 v48, v16;
	v19 =	vld.idx.msk [tilespmem:v5+s11+$0x0], $0xffff;
	v10 =	vor.u32 v13, v10;
	v13 =	vand.u32 $0xFFFFFF80, v51  }
0x36: {  	v20 =	vand.u32 $0xFFFFFF80, v20;
	v11 =	vor.u32 v12, v11;
	v21 =	vld.idx.msk [tilespmem:v6+s11+$0x0], $0xffff;
	v12 =	vadd.s32 v50, v13  }
0x37: {  	v14 =	vand.u32 $0x7, v45;
	v22 =	vld.idx.msk [tilespmem:v7+s11+$0x0], $0xffff;
	v13 =	vadd.s32 v52, v20;
	v12 =	vor.u32 v15, v12  }
0x38: {  	v13 =	vor.u32 v14, v13;
	v54 =	vld.idx.msk [tilespmem:v8+s11+$0x0], $0xffff;
	v53 =	vshll.u32 v18, $0x1  }
0x39: {  	v57 =	vld.idx.msk [tilespmem:v9+s11+$0x0], $0xffff;
	v55 =	vor.u32 v17, v53;
	v56 =	vshll.u32 v49, $0x2  }
0x3a: {  	v58 =	vshll.u32 v19, $0x3;
	v59 =	vld.idx.msk [tilespmem:v10+s11+$0x0], $0xffff;
	v14 =	vor.u32 v56, v55  }
0x3b: {  	v61 =	vld.idx.msk [tilespmem:v11+s11+$0x0], $0xffff;
	v60 =	vshll.u32 v21, $0x4;
	v14 =	vor.u32 v58, v14  }
0x3c: {  	v62 =	vshll.u32 v22, $0x5;
	v63 =	vld.idx.msk [tilespmem:v12+s11+$0x0], $0xffff;
	v14 =	vor.u32 v60, v14  }
0x3d: {  	v24 =	vld.idx.msk [tilespmem:v13+s11+$0x0], $0xffff;
	v23 =	vshll.u32 v54, $0x6;
	v14 =	vor.u32 v62, v14  }
0x3e: {  	v25 =	vshll.u32 v57, $0x7;
	v14 =	vor.u32 v23, v14  }
0x3f: {  	v26 =	vshll.u32 v59, $0x8;
	v14 =	vor.u32 v25, v14  }
0x40: {  	v27 =	vshll.u32 v61, $0x9;
	v14 =	vor.u32 v26, v14  }
0x41: {  	v29 =	vadd.s32 $0x80, v2;
	v28 =	vshll.u32 v63, $0xA;
	v14 =	vor.u32 v27, v14  }
0x42: {  	s25 =	sshrl.u32 s31, $0x2;
	v31 =	vadd.s32 $0x80, v3;
	v30 =	vshll.u32 v24, $0xB;
	v14 =	vor.u32 v28, v14  }
0x43: {  	s2 =	sand.u32 $0x70, s29;
	s0 =	sand.u32 $0x380, s25;
	v32 =	vadd.s32 $0x80, v4;
	v15 =	vor.u32 v30, v14;
	v14 =	vor.u32 s30, v0  }
0x44: {  	s0 =	sor.u32 s2, s0;
	v33 =	vadd.s32 $0x80, v5;
	v15 =	vadd.s32 v15, v14  }
0x45: {  	v34 =	vadd.s32 $0x80, v6;
	[tilespmem:s0+$0x1B000] =	vst v15  }
0x46: {  	v35 =	vadd.s32 $0x80, v7;
	v16 =	vld.idx.msk [tilespmem:v29+s11+$0x0], $0xffff  }
0x47: {  	v36 =	vadd.s32 $0x80, v8;
	v17 =	vld.idx.msk [tilespmem:v31+s11+$0x0], $0xffff  }
0x48: {  	v37 =	vadd.s32 $0x80, v9;
	v18 =	vld.idx.msk [tilespmem:v32+s11+$0x0], $0xffff  }
0x49: {  	v23 =	vadd.s32 $0x80, v10;
	v19 =	vld.idx.msk [tilespmem:v33+s11+$0x0], $0xffff  }
0x4a: {  	v24 =	vadd.s32 $0x80, v11;
	v15 =	vld.idx.msk [tilespmem:v34+s11+$0x0], $0xffff  }
0x4b: {  	v25 =	vadd.s32 $0x80, v12;
	v20 =	vld.idx.msk [tilespmem:v35+s11+$0x0], $0xffff  }
0x4c: {  	v26 =	vadd.s32 $0x80, v13;
	v21 =	vld.idx.msk [tilespmem:v36+s11+$0x0], $0xffff;
	v17 =	vshll.u32 v17, $0x1  }
0x4d: {  	v39 =	vld.idx.msk [tilespmem:v37+s11+$0x0], $0xffff;
	v38 =	vshll.u32 v18, $0x2;
	v16 =	vor.u32 v16, v17  }
0x4e: {  	v41 =	vld.idx.msk [tilespmem:v23+s11+$0x0], $0xffff;
	v40 =	vshll.u32 v19, $0x3;
	v16 =	vor.u32 v38, v16  }
0x4f: {  	v42 =	vld.idx.msk [tilespmem:v24+s11+$0x0], $0xffff;
	v15 =	vshll.u32 v15, $0x4;
	v16 =	vor.u32 v40, v16  }
0x50: {  	v44 =	vld.idx.msk [tilespmem:v25+s11+$0x0], $0xffff;
	v43 =	vshll.u32 v20, $0x5;
	v15 =	vor.u32 v15, v16  }
0x51: {  	v46 =	vld.idx.msk [tilespmem:v26+s11+$0x0], $0xffff;
	v45 =	vshll.u32 v21, $0x6;
	v15 =	vor.u32 v43, v15  }
0x52: {  	v47 =	vshll.u32 v39, $0x7;
	v15 =	vor.u32 v45, v15  }
0x53: {  	v48 =	vshll.u32 v41, $0x8;
	v15 =	vor.u32 v47, v15  }
0x54: {  	v49 =	vshll.u32 v42, $0x9;
	v15 =	vor.u32 v48, v15  }
0x55: {  	v51 =	vadd.s32 $0x100, v2;
	v50 =	vshll.u32 v44, $0xA;
	v15 =	vor.u32 v49, v15  }
0x56: {  	v53 =	vadd.s32 $0x100, v3;
	v52 =	vshll.u32 v46, $0xB;
	v15 =	vor.u32 v50, v15  }
0x57: {  	v54 =	vadd.s32 $0x100, v4;
	v15 =	vor.u32 v52, v15  }
0x58: {  	v55 =	vadd.s32 $0x100, v5;
	v15 =	vadd.s32 v15, v14  }
0x59: {  	v56 =	vadd.s32 $0x100, v6;
	[tilespmem:s0+$0x1B400] =	vst v15  }
0x5a: {  	v57 =	vadd.s32 $0x100, v7;
	v17 =	vld.idx.msk [tilespmem:v51+s11+$0x0], $0xffff  }
0x5b: {  	v58 =	vadd.s32 $0x100, v8;
	v18 =	vld.idx.msk [tilespmem:v53+s11+$0x0], $0xffff  }
0x5c: {  	v59 =	vadd.s32 $0x100, v9;
	v16 =	vld.idx.msk [tilespmem:v54+s11+$0x0], $0xffff  }
0x5d: {  	v60 =	vadd.s32 $0x100, v10;
	v19 =	vld.idx.msk [tilespmem:v55+s11+$0x0], $0xffff  }
0x5e: {  	v61 =	vadd.s32 $0x100, v11;
	v15 =	vld.idx.msk [tilespmem:v56+s11+$0x0], $0xffff  }
0x5f: {  	v62 =	vadd.s32 $0x100, v12;
	v20 =	vld.idx.msk [tilespmem:v57+s11+$0x0], $0xffff  }
0x60: {  	v63 =	vadd.s32 $0x100, v13;
	v21 =	vld.idx.msk [tilespmem:v58+s11+$0x0], $0xffff;
	v18 =	vshll.u32 v18, $0x1  }
0x61: {  	v28 =	vld.idx.msk [tilespmem:v59+s11+$0x0], $0xffff;
	v16 =	vshll.u32 v16, $0x2;
	v17 =	vor.u32 v17, v18  }
0x62: {  	v30 =	vld.idx.msk [tilespmem:v60+s11+$0x0], $0xffff;
	v29 =	vshll.u32 v19, $0x3;
	v16 =	vor.u32 v16, v17  }
0x63: {  	v31 =	vld.idx.msk [tilespmem:v61+s11+$0x0], $0xffff;
	v15 =	vshll.u32 v15, $0x4;
	v16 =	vor.u32 v29, v16  }
0x64: {  	v33 =	vld.idx.msk [tilespmem:v62+s11+$0x0], $0xffff;
	v32 =	vshll.u32 v20, $0x5;
	v15 =	vor.u32 v15, v16  }
0x65: {  	v35 =	vld.idx.msk [tilespmem:v63+s11+$0x0], $0xffff;
	v34 =	vshll.u32 v21, $0x6;
	v15 =	vor.u32 v32, v15  }
0x66: {  	v36 =	vshll.u32 v28, $0x7;
	v15 =	vor.u32 v34, v15  }
0x67: {  	v37 =	vshll.u32 v30, $0x8;
	v15 =	vor.u32 v36, v15  }
0x68: {  	v38 =	vshll.u32 v31, $0x9;
	v15 =	vor.u32 v37, v15  }
0x69: {  	v40 =	vadd.s32 $0x180, v2;
	v39 =	vshll.u32 v33, $0xA;
	v15 =	vor.u32 v38, v15  }
0x6a: {  	v42 =	vadd.s32 $0x180, v3;
	v41 =	vshll.u32 v35, $0xB;
	v15 =	vor.u32 v39, v15  }
0x6b: {  	v43 =	vadd.s32 $0x180, v4;
	v15 =	vor.u32 v41, v15  }
0x6c: {  	v44 =	vadd.s32 $0x180, v5;
	v15 =	vadd.s32 v15, v14  }
0x6d: {  	v45 =	vadd.s32 $0x180, v6;
	[tilespmem:s0+$0x1B800] =	vst v15  }
0x6e: {  	v46 =	vadd.s32 $0x180, v7;
	v17 =	vld.idx.msk [tilespmem:v40+s11+$0x0], $0xffff  }
0x6f: {  	v47 =	vadd.s32 $0x180, v8;
	v18 =	vld.idx.msk [tilespmem:v42+s11+$0x0], $0xffff  }
0x70: {  	v48 =	vadd.s32 $0x180, v9;
	v16 =	vld.idx.msk [tilespmem:v43+s11+$0x0], $0xffff  }
0x71: {  	v49 =	vadd.s32 $0x180, v10;
	v19 =	vld.idx.msk [tilespmem:v44+s11+$0x0], $0xffff  }
0x72: {  	v50 =	vadd.s32 $0x180, v11;
	v15 =	vld.idx.msk [tilespmem:v45+s11+$0x0], $0xffff  }
0x73: {  	v51 =	vadd.s32 $0x180, v12;
	v20 =	vld.idx.msk [tilespmem:v46+s11+$0x0], $0xffff  }
0x74: {  	v52 =	vadd.s32 $0x180, v13;
	v21 =	vld.idx.msk [tilespmem:v47+s11+$0x0], $0xffff;
	v18 =	vshll.u32 v18, $0x1  }
0x75: {  	v53 =	vld.idx.msk [tilespmem:v48+s11+$0x0], $0xffff;
	v16 =	vshll.u32 v16, $0x2;
	v17 =	vor.u32 v17, v18  }
0x76: {  	v55 =	vld.idx.msk [tilespmem:v49+s11+$0x0], $0xffff;
	v54 =	vshll.u32 v19, $0x3;
	v16 =	vor.u32 v16, v17  }
0x77: {  	v56 =	vld.idx.msk [tilespmem:v50+s11+$0x0], $0xffff;
	v15 =	vshll.u32 v15, $0x4;
	v16 =	vor.u32 v54, v16  }
0x78: {  	v58 =	vld.idx.msk [tilespmem:v51+s11+$0x0], $0xffff;
	v57 =	vshll.u32 v20, $0x5;
	v15 =	vor.u32 v15, v16  }
0x79: {  	v60 =	vld.idx.msk [tilespmem:v52+s11+$0x0], $0xffff;
	v59 =	vshll.u32 v21, $0x6;
	v15 =	vor.u32 v57, v15  }
0x7a: {  	v61 =	vshll.u32 v53, $0x7;
	v15 =	vor.u32 v59, v15  }
0x7b: {  	v62 =	vshll.u32 v55, $0x8;
	v15 =	vor.u32 v61, v15  }
0x7c: {  	v63 =	vshll.u32 v56, $0x9;
	v15 =	vor.u32 v62, v15  }
0x7d: {  	v22 =	vadd.s32 $0x200, v2;
	v20 =	vshll.u32 v58, $0xA;
	v15 =	vor.u32 v63, v15  }
0x7e: {  	v24 =	vadd.s32 $0x200, v3;
	v23 =	vshll.u32 v60, $0xB;
	v15 =	vor.u32 v20, v15  }
0x7f: {  	v25 =	vadd.s32 $0x200, v4;
	v15 =	vor.u32 v23, v15  }
0x80: {  	v26 =	vadd.s32 $0x200, v5;
	v15 =	vadd.s32 v15, v14  }
0x81: {  	v27 =	vadd.s32 $0x200, v6;
	[tilespmem:s0+$0x1BC00] =	vst v15  }
0x82: {  	v28 =	vadd.s32 $0x200, v7;
	v17 =	vld.idx.msk [tilespmem:v22+s11+$0x0], $0xffff  }
0x83: {  	v29 =	vadd.s32 $0x200, v8;
	v18 =	vld.idx.msk [tilespmem:v24+s11+$0x0], $0xffff  }
0x84: {  	v30 =	vadd.s32 $0x200, v9;
	v16 =	vld.idx.msk [tilespmem:v25+s11+$0x0], $0xffff  }
0x85: {  	v31 =	vadd.s32 $0x200, v10;
	v19 =	vld.idx.msk [tilespmem:v26+s11+$0x0], $0xffff  }
0x86: {  	v32 =	vadd.s32 $0x200, v11;
	v15 =	vld.idx.msk [tilespmem:v27+s11+$0x0], $0xffff  }
0x87: {  	v33 =	vadd.s32 $0x200, v12;
	v20 =	vld.idx.msk [tilespmem:v28+s11+$0x0], $0xffff  }
0x88: {  	v34 =	vadd.s32 $0x200, v13;
	v21 =	vld.idx.msk [tilespmem:v29+s11+$0x0], $0xffff;
	v18 =	vshll.u32 v18, $0x1  }
0x89: {  	v35 =	vld.idx.msk [tilespmem:v30+s11+$0x0], $0xffff;
	v16 =	vshll.u32 v16, $0x2;
	v17 =	vor.u32 v17, v18  }
0x8a: {  	v37 =	vld.idx.msk [tilespmem:v31+s11+$0x0], $0xffff;
	v36 =	vshll.u32 v19, $0x3;
	v16 =	vor.u32 v16, v17  }
0x8b: {  	v38 =	vld.idx.msk [tilespmem:v32+s11+$0x0], $0xffff;
	v15 =	vshll.u32 v15, $0x4;
	v16 =	vor.u32 v36, v16  }
0x8c: {  	v40 =	vld.idx.msk [tilespmem:v33+s11+$0x0], $0xffff;
	v39 =	vshll.u32 v20, $0x5;
	v15 =	vor.u32 v15, v16  }
0x8d: {  	v42 =	vld.idx.msk [tilespmem:v34+s11+$0x0], $0xffff;
	v41 =	vshll.u32 v21, $0x6;
	v15 =	vor.u32 v39, v15  }
0x8e: {  	v43 =	vshll.u32 v35, $0x7;
	v15 =	vor.u32 v41, v15  }
0x8f: {  	v44 =	vshll.u32 v37, $0x8;
	v15 =	vor.u32 v43, v15  }
0x90: {  	v45 =	vshll.u32 v38, $0x9;
	v15 =	vor.u32 v44, v15  }
0x91: {  	v47 =	vadd.s32 $0x280, v2;
	v46 =	vshll.u32 v40, $0xA;
	v15 =	vor.u32 v45, v15  }
0x92: {  	v49 =	vadd.s32 $0x280, v3;
	v48 =	vshll.u32 v42, $0xB;
	v15 =	vor.u32 v46, v15  }
0x93: {  	v50 =	vadd.s32 $0x280, v4;
	v15 =	vor.u32 v48, v15  }
0x94: {  	v51 =	vadd.s32 $0x280, v5;
	v15 =	vadd.s32 v15, v14  }
0x95: {  	v52 =	vadd.s32 $0x280, v6;
	[tilespmem:s0+$0x1C000] =	vst v15  }
0x96: {  	v53 =	vadd.s32 $0x280, v7;
	v17 =	vld.idx.msk [tilespmem:v47+s11+$0x0], $0xffff  }
0x97: {  	v54 =	vadd.s32 $0x280, v8;
	v18 =	vld.idx.msk [tilespmem:v49+s11+$0x0], $0xffff  }
0x98: {  	v55 =	vadd.s32 $0x280, v9;
	v16 =	vld.idx.msk [tilespmem:v50+s11+$0x0], $0xffff  }
0x99: {  	v56 =	vadd.s32 $0x280, v10;
	v19 =	vld.idx.msk [tilespmem:v51+s11+$0x0], $0xffff  }
0x9a: {  	v57 =	vadd.s32 $0x280, v11;
	v15 =	vld.idx.msk [tilespmem:v52+s11+$0x0], $0xffff  }
0x9b: {  	v58 =	vadd.s32 $0x280, v12;
	v20 =	vld.idx.msk [tilespmem:v53+s11+$0x0], $0xffff  }
0x9c: {  	v59 =	vadd.s32 $0x280, v13;
	v21 =	vld.idx.msk [tilespmem:v54+s11+$0x0], $0xffff;
	v18 =	vshll.u32 v18, $0x1  }
0x9d: {  	v60 =	vld.idx.msk [tilespmem:v55+s11+$0x0], $0xffff;
	v16 =	vshll.u32 v16, $0x2;
	v17 =	vor.u32 v17, v18  }
0x9e: {  	v62 =	vld.idx.msk [tilespmem:v56+s11+$0x0], $0xffff;
	v61 =	vshll.u32 v19, $0x3;
	v16 =	vor.u32 v16, v17  }
0x9f: {  	v63 =	vld.idx.msk [tilespmem:v57+s11+$0x0], $0xffff;
	v15 =	vshll.u32 v15, $0x4;
	v16 =	vor.u32 v61, v16  }
0xa0: {  	v25 =	vld.idx.msk [tilespmem:v58+s11+$0x0], $0xffff;
	v24 =	vshll.u32 v20, $0x5;
	v15 =	vor.u32 v15, v16  }
0xa1: {  	v28 =	vld.idx.msk [tilespmem:v59+s11+$0x0], $0xffff;
	v27 =	vshll.u32 v21, $0x6;
	v15 =	vor.u32 v24, v15  }
0xa2: {  	v29 =	vshll.u32 v60, $0x7;
	v15 =	vor.u32 v27, v15  }
0xa3: {  	v30 =	vshll.u32 v62, $0x8;
	v15 =	vor.u32 v29, v15  }
0xa4: {  	v31 =	vshll.u32 v63, $0x9;
	v15 =	vor.u32 v30, v15  }
0xa5: {  	v33 =	vadd.s32 $0x300, v2;
	v32 =	vshll.u32 v25, $0xA;
	v15 =	vor.u32 v31, v15  }
0xa6: {  	v35 =	vadd.s32 $0x300, v3;
	v34 =	vshll.u32 v28, $0xB;
	v15 =	vor.u32 v32, v15  }
0xa7: {  	v36 =	vadd.s32 $0x300, v4;
	v15 =	vor.u32 v34, v15  }
0xa8: {  	v37 =	vadd.s32 $0x300, v5;
	v15 =	vadd.s32 v15, v14  }
0xa9: {  	v38 =	vadd.s32 $0x300, v6;
	[tilespmem:s0+$0x1C400] =	vst v15  }
0xaa: {  	v39 =	vadd.s32 $0x300, v7;
	v17 =	vld.idx.msk [tilespmem:v33+s11+$0x0], $0xffff  }
0xab: {  	v40 =	vadd.s32 $0x300, v8;
	v18 =	vld.idx.msk [tilespmem:v35+s11+$0x0], $0xffff  }
0xac: {  	v41 =	vadd.s32 $0x300, v9;
	v16 =	vld.idx.msk [tilespmem:v36+s11+$0x0], $0xffff  }
0xad: {  	v42 =	vadd.s32 $0x300, v10;
	v19 =	vld.idx.msk [tilespmem:v37+s11+$0x0], $0xffff  }
0xae: {  	v43 =	vadd.s32 $0x300, v11;
	v15 =	vld.idx.msk [tilespmem:v38+s11+$0x0], $0xffff  }
0xaf: {  	v44 =	vadd.s32 $0x300, v12;
	v20 =	vld.idx.msk [tilespmem:v39+s11+$0x0], $0xffff  }
0xb0: {  	v45 =	vadd.s32 $0x300, v13;
	v21 =	vld.idx.msk [tilespmem:v40+s11+$0x0], $0xffff;
	v18 =	vshll.u32 v18, $0x1  }
0xb1: {  	v46 =	vld.idx.msk [tilespmem:v41+s11+$0x0], $0xffff;
	v16 =	vshll.u32 v16, $0x2;
	v17 =	vor.u32 v17, v18  }
0xb2: {  	v48 =	vld.idx.msk [tilespmem:v42+s11+$0x0], $0xffff;
	v47 =	vshll.u32 v19, $0x3;
	v16 =	vor.u32 v16, v17  }
0xb3: {  	v49 =	vld.idx.msk [tilespmem:v43+s11+$0x0], $0xffff;
	v15 =	vshll.u32 v15, $0x4;
	v16 =	vor.u32 v47, v16  }
0xb4: {  	v51 =	vld.idx.msk [tilespmem:v44+s11+$0x0], $0xffff;
	v50 =	vshll.u32 v20, $0x5;
	v15 =	vor.u32 v15, v16  }
0xb5: {  	v53 =	vld.idx.msk [tilespmem:v45+s11+$0x0], $0xffff;
	v52 =	vshll.u32 v21, $0x6;
	v15 =	vor.u32 v50, v15  }
0xb6: {  	v54 =	vshll.u32 v46, $0x7;
	v15 =	vor.u32 v52, v15  }
0xb7: {  	v55 =	vshll.u32 v48, $0x8;
	v15 =	vor.u32 v54, v15  }
0xb8: {  	v56 =	vshll.u32 v49, $0x9;
	v15 =	vor.u32 v55, v15  }
0xb9: {  	v2 =	vadd.s32 $0x380, v2;
	v57 =	vshll.u32 v51, $0xA;
	v15 =	vor.u32 v56, v15  }
0xba: {  	v3 =	vadd.s32 $0x380, v3;
	v58 =	vshll.u32 v53, $0xB;
	v15 =	vor.u32 v57, v15  }
0xbb: {  	v4 =	vadd.s32 $0x380, v4;
	v15 =	vor.u32 v58, v15  }
0xbc: {  	v5 =	vadd.s32 $0x380, v5;
	v15 =	vadd.s32 v15, v14  }
0xbd: {  	v6 =	vadd.s32 $0x380, v6;
	[tilespmem:s0+$0x1C800] =	vst v15  }
0xbe: {  	v7 =	vadd.s32 $0x380, v7;
	v2 =	vld.idx.msk [tilespmem:v2+s11+$0x0], $0xffff  }
0xbf: {  	v8 =	vadd.s32 $0x380, v8;
	v3 =	vld.idx.msk [tilespmem:v3+s11+$0x0], $0xffff  }
0xc0: {  	v9 =	vadd.s32 $0x380, v9;
	v4 =	vld.idx.msk [tilespmem:v4+s11+$0x0], $0xffff  }
0xc1: {  	v10 =	vadd.s32 $0x380, v10;
	v5 =	vld.idx.msk [tilespmem:v5+s11+$0x0], $0xffff  }
0xc2: {  	v11 =	vadd.s32 $0x380, v11;
	v6 =	vld.idx.msk [tilespmem:v6+s11+$0x0], $0xffff  }
0xc3: {  	v12 =	vadd.s32 $0x380, v12;
	v7 =	vld.idx.msk [tilespmem:v7+s11+$0x0], $0xffff  }
0xc4: {  	v13 =	vadd.s32 $0x380, v13;
	v8 =	vld.idx.msk [tilespmem:v8+s11+$0x0], $0xffff;
	v3 =	vshll.u32 v3, $0x1  }
0xc5: {  	v59 =	vld.idx.msk [tilespmem:v9+s11+$0x0], $0xffff;
	v2 =	vor.u32 v2, v3;
	v3 =	vshll.u32 v4, $0x2  }
0xc6: {  	v60 =	vld.idx.msk [tilespmem:v10+s11+$0x0], $0xffff;
	v2 =	vor.u32 v3, v2;
	v3 =	vshll.u32 v5, $0x3  }
0xc7: {  	v61 =	vld.idx.msk [tilespmem:v11+s11+$0x0], $0xffff;
	v2 =	vor.u32 v3, v2;
	v3 =	vshll.u32 v6, $0x4  }
0xc8: {  	v62 =	vld.idx.msk [tilespmem:v12+s11+$0x0], $0xffff;
	v2 =	vor.u32 v3, v2;
	v3 =	vshll.u32 v7, $0x5  }
0xc9: {  	v63 =	vld.idx.msk [tilespmem:v13+s11+$0x0], $0xffff;
	v2 =	vor.u32 v3, v2;
	v3 =	vshll.u32 v8, $0x6  }
0xca: {  	v2 =	vor.u32 v3, v2;
	v3 =	vshll.u32 v59, $0x7  }
0xcb: {  	v2 =	vor.u32 v3, v2;
	v3 =	vshll.u32 v60, $0x8  }
0xcc: {  	p0 =	sne.s32 s31, $0xFC0;
	v2 =	vor.u32 v3, v2;
	v3 =	vshll.u32 v61, $0x9  }
.Ltmp0:
0xcd: {  	v2 =	vor.u32 v3, v2;
	v3 =	vshll.u32 v62, $0xA;
	(pc) =	sbr.rel @p0 .LBB2_3-.Ltmp0, $4  }
0xce: {  	v2 =	vor.u32 v3, v2;
	v3 =	vshll.u32 v63, $0xB  }
0xcf: {  	v2 =	vor.u32 v3, v2  }
0xd0: {  	v2 =	vadd.s32 v2, v14  }
0xd1: {  	s29 =	sadd.s32 $0x10, s29;
	s31 =	sadd.s32 $0x40, s31;
	s30 =	sadd.s32 $0x10000, s30;
	[tilespmem:s0+$0x1CC00] =	vst v2  }
0xd2: {  	s0 =	sadd.s32 $0x1, s28;
	p0 =	seq.s32 s28, $0xF  }
0xd3: {  	s2 =	sadd.s32 @!p0 s4, s0  }
0xd4: {  	p1 =	slt.s32 @!p0 s2, $0x1FF  }
0xd5: {  	p1 =	por !p1, p0  }
0xd6: {  	s2 =	simm.s32 @p1 $0x1FF  }
0xd7: {  	s2 =	smul.u32 @!p0 $0x3000, s2  }
0xd8: {  	s31 =	sshll.u32 s28, $0x7;
	s5 =	simm.s32 @!p0 $0x0  }
0xd9: {  	s25 =	simm.s32 @!p0 $0x3000;
	s28 =	sand.u32 $0x3FFFFF80, s31;
	s2 =	sadd.s32 @!p0 s1, s2  }
0xda: {  	[tilespmem:s25], [sflag:$0x1] =	stream.linear.gather @!p0 [hbm4b:s2+s5], $0x18000, $0x38;
	[tilespmem:$0x1F800] =	vst v63  }
0xdb: {  	[tilespmem:s28+$0x1F000] =	vst v1  }
0xdc: {  	[tilespmem:s28+$0x1F010] =	vst v1  }
0xdd: {  	[tilespmem:s28+$0x1F020] =	vst v1  }
0xde: {  	[tilespmem:s28+$0x1F030] =	vst v1  }
0xdf: {  	[tilespmem:s28+$0x1F040] =	vst v1  }
0xe0: {  	[tilespmem:s28+$0x1F050] =	vst v1  }
0xe1: {  	[tilespmem:s28+$0x1F060] =	vst v1  }
0xe2: {  	[tilespmem:s28+$0x1F070] =	vst v1  }
0xe3: {  	[tilespmem:s15], [sflag:$0x2] =	stream.indirect.gather [hbm4b:s6+s13], $0x10, s14, s13, $0xb8;
	[tilespmem:$0x1F800] =	vst v63  }
0xe4: {  	_ = 	snop  }
0xe5: {  	[tilespmem:s17], [sflag:$0x3] =	stream.indirect.gather [hbm4b:s6+s13], $0x10, s16, s13, $0xb8;
	[tilespmem:$0x1F800] =	vst v63  }
0xe6: {  	s30 =	simm.s32 $0x0;
	s29 =	sadd.s32 $0x1F000, s28  }
0xe7: {  	[tilespmem:s19], [sflag:$0x4] =	stream.indirect.gather [hbm4b:s6+s13], $0x10, s18, s13, $0xb8;
	[tilespmem:$0x1F800] =	vst v63  }
.LBB2_5:
0xe8: {  	s2 =	sshll.u32 s30, $0x9  }
0xe9: {  	s2 =	sand.u32 $0x3FFFFE00, s2  }
0xea: {  	s5 =	sadd.s32 $0x1B180, s2  }
0xeb: {  	[tilespmem:s20], [sflag:$0x5] =	stream.indirect.gather [hbm4b:s6+s13], $0x10, s5, s13, $0xb8;
	[tilespmem:$0x1F800] =	vst v63  }
0xec: {  	_ =	swait.ge [sflag:s21], $0x800  }
0xed: {  	[sflag:s21] =	ssyncset.done $0x0  }
0xee: {  	s31 =	simm.s32 $0x0;
	[sflag:s21] =	ssyncadd.s32 $0xFFFFF800  }
0xef: {  	v3 =	vld [tilespmem:s31+$0x1D040]  }
0xf0: {  	v2 =	vld [tilespmem:s31+$0x1D050]  }
0xf1: {  	v4 =	vld [tilespmem:s31+$0x1D000]  }
0xf2: {  	v7 =	vimm.f32 $0.0e+00;
	v5 =	vld [tilespmem:s31+$0x1D010]  }
0xf3: {  	s25 =	simm.s32 $0x200;
	v8 =	vimm.f32 $0.0e+00;
	v9 =	vimm.f32 $0.0e+00;
	v10 =	vimm.f32 $0.0e+00;
	v6 =	vld [tilespmem:s31+$0x1D020]  }
.LBB2_6:
0xf4: {  	p0 =	sne.s32 s25, $0x1E00;
	v11 =	vld [tilespmem:s31+$0x1D030];
	v12 =	vmov v3  }
0xf5: {  	v13 =	vld [tilespmem:s31+$0x1D060];
	v14 =	vmov v2  }
0xf6: {  	v15 =	vld [tilespmem:s31+$0x1D070];
	s31 =	sshra.s32 s25, $0x2  }
.Ltmp1:
0xf7: {  	v3 =	vld [tilespmem:s31+$0x1D040];
	(pc) =	sbr.rel @p0 .LBB2_6-.Ltmp1, $4  }
0xf8: {  	v7 =	vadd.f32 v4, v7;
	v8 =	vadd.f32 v5, v8;
	v2 =	vld [tilespmem:s31+$0x1D050]  }
0xf9: {  	v9 =	vadd.f32 v6, v9;
	v4 =	vld [tilespmem:s31+$0x1D000];
	v10 =	vadd.f32 v11, v10  }
0xfa: {  	v7 =	vadd.f32 v12, v7;
	v8 =	vadd.f32 v14, v8;
	v5 =	vld [tilespmem:s31+$0x1D010]  }
0xfb: {  	s25 =	sadd.s32 $0x200, s25;
	v9 =	vadd.f32 v13, v9;
	v6 =	vld [tilespmem:s31+$0x1D020];
	v10 =	vadd.f32 v15, v10  }
0xfc: {  	v11 =	vld [tilespmem:s31+$0x1D030]  }
0xfd: {  	v12 =	vld [tilespmem:s31+$0x1D060]  }
0xfe: {  	v13 =	vld [tilespmem:s31+$0x1D070];
	_ =	sdelay $0x1  }
0xff: {  	v4 =	vadd.f32 v4, v7;
	v5 =	vadd.f32 v5, v8  }
0x100: {  	v6 =	vadd.f32 v6, v9;
	v7 =	vadd.f32 v11, v10  }
0x101: {  	v3 =	vadd.f32 v3, v4;
	v2 =	vadd.f32 v2, v5  }
0x102: {  	v4 =	vadd.f32 v12, v6;
	v5 =	vadd.f32 v13, v7;
	_ =	sdelay $0x1  }
0x103: {  	v2 =	vadd.f32 v2, v3;
	v3 =	vadd.f32 v5, v4  }
0x104: {  	s5 =	sshll.u32 s30, $0x3  }
0x105: {  	s5 =	sand.u32 $0x70, s5;
	v2 =	vadd.f32 v3, v2  }
0x106: {  	p0 =	seq.s32 s30, $0xF;
	s31 =	sadd.s32 s5, s29  }
0x107: {  	s25 =	simm.s32 @!p0 $0x80;
	s7 =	simm.s32 @!p0 $0x1D000;
	s5 =	sadd.s32 @!p0 $0x1B200, s2;
	[tilespmem:s31+$0x0] =	vst.add.f32.msk $0xffff, v2  }
0x108: {  	[tilespmem:s7], [sflag:$0x2] =	stream.indirect.gather @!p0 [hbm4b:s6+s25], $0x10, s5, s25, $0xb8;
	[tilespmem:$0x1F800] =	vst v63  }
0x109: {  	_ =	swait.ge [sflag:s22], $0x800  }
0x10a: {  	[sflag:s22] =	ssyncset.done $0x0  }
0x10b: {  	s25 =	simm.s32 $0x0;
	[sflag:s22] =	ssyncadd.s32 $0xFFFFF800  }
0x10c: {  	v3 =	vld [tilespmem:s25+$0x1D840]  }
0x10d: {  	v2 =	vld [tilespmem:s25+$0x1D850]  }
0x10e: {  	v4 =	vld [tilespmem:s25+$0x1D800]  }
0x10f: {  	v8 =	vimm.f32 $0.0e+00;
	v5 =	vld [tilespmem:s25+$0x1D810]  }
0x110: {  	v9 =	vimm.f32 $0.0e+00;
	v10 =	vimm.f32 $0.0e+00;
	v7 =	vimm.f32 $0.0e+00;
	s5 =	simm.s32 $0x200;
	v6 =	vld [tilespmem:s25+$0x1D820]  }
.LBB2_8:
0x111: {  	p1 =	sne.s32 s5, $0x1E00;
	v11 =	vld [tilespmem:s25+$0x1D830];
	v12 =	vmov v3  }
0x112: {  	v13 =	vld [tilespmem:s25+$0x1D860];
	v14 =	vmov v2  }
0x113: {  	v15 =	vld [tilespmem:s25+$0x1D870];
	s25 =	sshra.s32 s5, $0x2  }
.Ltmp2:
0x114: {  	v3 =	vld [tilespmem:s25+$0x1D840];
	(pc) =	sbr.rel @p1 .LBB2_8-.Ltmp2, $4  }
0x115: {  	v7 =	vadd.f32 v4, v7;
	v8 =	vadd.f32 v5, v8;
	v2 =	vld [tilespmem:s25+$0x1D850]  }
0x116: {  	v9 =	vadd.f32 v6, v9;
	v4 =	vld [tilespmem:s25+$0x1D800];
	v10 =	vadd.f32 v11, v10  }
0x117: {  	v7 =	vadd.f32 v12, v7;
	v8 =	vadd.f32 v14, v8;
	v5 =	vld [tilespmem:s25+$0x1D810]  }
0x118: {  	s5 =	sadd.s32 $0x200, s5;
	v9 =	vadd.f32 v13, v9;
	v6 =	vld [tilespmem:s25+$0x1D820];
	v10 =	vadd.f32 v15, v10  }
0x119: {  	v11 =	vld [tilespmem:s25+$0x1D830]  }
0x11a: {  	v12 =	vld [tilespmem:s25+$0x1D860]  }
0x11b: {  	v13 =	vld [tilespmem:s25+$0x1D870];
	_ =	sdelay $0x1  }
0x11c: {  	v4 =	vadd.f32 v4, v7;
	v5 =	vadd.f32 v5, v8  }
0x11d: {  	v6 =	vadd.f32 v6, v9;
	v7 =	vadd.f32 v11, v10  }
0x11e: {  	v3 =	vadd.f32 v3, v4;
	v2 =	vadd.f32 v2, v5  }
0x11f: {  	v4 =	vadd.f32 v12, v6;
	v5 =	vadd.f32 v13, v7;
	_ =	sdelay $0x1  }
0x120: {  	v2 =	vadd.f32 v2, v3;
	v3 =	vadd.f32 v5, v4;
	_ =	sdelay $0x1  }
0x121: {  	v2 =	vadd.f32 v3, v2;
	_ =	sdelay $0x1  }
0x122: {  	s5 =	sadd.s32 @!p0 $0x1B280, s2;
	s7 =	simm.s32 @!p0 $0x80;
	s25 =	simm.s32 @!p0 $0x1D800;
	[tilespmem:s31+$0x0] =	vst.add.f32.msk $0xffff, v2  }
0x123: {  	[tilespmem:s25], [sflag:$0x3] =	stream.indirect.gather @!p0 [hbm4b:s6+s7], $0x10, s5, s7, $0xb8;
	[tilespmem:$0x1F800] =	vst v63  }
0x124: {  	_ =	swait.ge [sflag:s23], $0x800  }
0x125: {  	[sflag:s23] =	ssyncset.done $0x0  }
0x126: {  	s25 =	simm.s32 $0x0;
	[sflag:s23] =	ssyncadd.s32 $0xFFFFF800  }
0x127: {  	v3 =	vld [tilespmem:s25+$0x1E040]  }
0x128: {  	v2 =	vld [tilespmem:s25+$0x1E050]  }
0x129: {  	v4 =	vld [tilespmem:s25+$0x1E000]  }
0x12a: {  	v8 =	vimm.f32 $0.0e+00;
	v5 =	vld [tilespmem:s25+$0x1E010]  }
0x12b: {  	v9 =	vimm.f32 $0.0e+00;
	v10 =	vimm.f32 $0.0e+00;
	v7 =	vimm.f32 $0.0e+00;
	s5 =	simm.s32 $0x200;
	v6 =	vld [tilespmem:s25+$0x1E020]  }
.LBB2_10:
0x12c: {  	p1 =	sne.s32 s5, $0x1E00;
	v11 =	vld [tilespmem:s25+$0x1E030];
	v12 =	vmov v3  }
0x12d: {  	v13 =	vld [tilespmem:s25+$0x1E060];
	v14 =	vmov v2  }
0x12e: {  	v15 =	vld [tilespmem:s25+$0x1E070];
	s25 =	sshra.s32 s5, $0x2  }
.Ltmp3:
0x12f: {  	v3 =	vld [tilespmem:s25+$0x1E040];
	(pc) =	sbr.rel @p1 .LBB2_10-.Ltmp3, $4  }
0x130: {  	v7 =	vadd.f32 v4, v7;
	v8 =	vadd.f32 v5, v8;
	v2 =	vld [tilespmem:s25+$0x1E050]  }
0x131: {  	v9 =	vadd.f32 v6, v9;
	v4 =	vld [tilespmem:s25+$0x1E000];
	v10 =	vadd.f32 v11, v10  }
0x132: {  	v7 =	vadd.f32 v12, v7;
	v8 =	vadd.f32 v14, v8;
	v5 =	vld [tilespmem:s25+$0x1E010]  }
0x133: {  	s5 =	sadd.s32 $0x200, s5;
	v9 =	vadd.f32 v13, v9;
	v6 =	vld [tilespmem:s25+$0x1E020];
	v10 =	vadd.f32 v15, v10  }
0x134: {  	v11 =	vld [tilespmem:s25+$0x1E030]  }
0x135: {  	v12 =	vld [tilespmem:s25+$0x1E060]  }
0x136: {  	v13 =	vld [tilespmem:s25+$0x1E070];
	_ =	sdelay $0x1  }
0x137: {  	v4 =	vadd.f32 v4, v7;
	v5 =	vadd.f32 v5, v8  }
0x138: {  	v6 =	vadd.f32 v6, v9;
	v7 =	vadd.f32 v11, v10  }
0x139: {  	v3 =	vadd.f32 v3, v4;
	v2 =	vadd.f32 v2, v5  }
0x13a: {  	v4 =	vadd.f32 v12, v6;
	v5 =	vadd.f32 v13, v7;
	_ =	sdelay $0x1  }
0x13b: {  	v2 =	vadd.f32 v2, v3;
	v3 =	vadd.f32 v5, v4;
	_ =	sdelay $0x1  }
0x13c: {  	v2 =	vadd.f32 v3, v2;
	_ =	sdelay $0x1  }
0x13d: {  	s2 =	sadd.s32 @!p0 $0x1B300, s2;
	s5 =	simm.s32 @!p0 $0x80;
	s7 =	simm.s32 @!p0 $0x1E000;
	[tilespmem:s31+$0x0] =	vst.add.f32.msk $0xffff, v2  }
0x13e: {  	[tilespmem:s7], [sflag:$0x4] =	stream.indirect.gather @!p0 [hbm4b:s6+s5], $0x10, s2, s5, $0xb8;
	[tilespmem:$0x1F800] =	vst v63  }
0x13f: {  	_ =	swait.ge [sflag:s24], $0x800  }
0x140: {  	[sflag:s24] =	ssyncset.done $0x0  }
0x141: {  	s2 =	simm.s32 $0x0;
	[sflag:s24] =	ssyncadd.s32 $0xFFFFF800  }
0x142: {  	v3 =	vld [tilespmem:s2+$0x1E840]  }
0x143: {  	v2 =	vld [tilespmem:s2+$0x1E850]  }
0x144: {  	v4 =	vld [tilespmem:s2+$0x1E800]  }
0x145: {  	v8 =	vimm.f32 $0.0e+00;
	v5 =	vld [tilespmem:s2+$0x1E810]  }
0x146: {  	v9 =	vimm.f32 $0.0e+00;
	v10 =	vimm.f32 $0.0e+00;
	v7 =	vimm.f32 $0.0e+00;
	s5 =	simm.s32 $0x200;
	v6 =	vld [tilespmem:s2+$0x1E820]  }
.LBB2_12:
0x147: {  	p0 =	sne.s32 s5, $0x1E00;
	v11 =	vld [tilespmem:s2+$0x1E830];
	v12 =	vmov v3  }
0x148: {  	v13 =	vld [tilespmem:s2+$0x1E860];
	v14 =	vmov v2  }
0x149: {  	v15 =	vld [tilespmem:s2+$0x1E870];
	s2 =	sshra.s32 s5, $0x2  }
.Ltmp4:
0x14a: {  	v3 =	vld [tilespmem:s2+$0x1E840];
	(pc) =	sbr.rel @p0 .LBB2_12-.Ltmp4, $4  }
0x14b: {  	v7 =	vadd.f32 v4, v7;
	v8 =	vadd.f32 v5, v8;
	v2 =	vld [tilespmem:s2+$0x1E850]  }
0x14c: {  	v9 =	vadd.f32 v6, v9;
	v4 =	vld [tilespmem:s2+$0x1E800];
	v10 =	vadd.f32 v11, v10  }
0x14d: {  	v7 =	vadd.f32 v12, v7;
	v8 =	vadd.f32 v14, v8;
	v5 =	vld [tilespmem:s2+$0x1E810]  }
0x14e: {  	s5 =	sadd.s32 $0x200, s5;
	v9 =	vadd.f32 v13, v9;
	v6 =	vld [tilespmem:s2+$0x1E820];
	v10 =	vadd.f32 v15, v10  }
0x14f: {  	v11 =	vld [tilespmem:s2+$0x1E830]  }
0x150: {  	v12 =	vld [tilespmem:s2+$0x1E860]  }
0x151: {  	v13 =	vld [tilespmem:s2+$0x1E870];
	_ =	sdelay $0x1  }
0x152: {  	v4 =	vadd.f32 v4, v7;
	v5 =	vadd.f32 v5, v8  }
0x153: {  	v6 =	vadd.f32 v6, v9;
	v61 =	vadd.f32 v11, v10  }
0x154: {  	v3 =	vadd.f32 v3, v4;
	v2 =	vadd.f32 v2, v5  }
0x155: {  	s30 =	sadd.s32 $0x1, s30;
	v62 =	vadd.f32 v12, v6;
	v63 =	vadd.f32 v13, v61  }
0x156: {  	p0 =	sne.s32 s30, $0x10  }
.Ltmp5:
0x157: {  	v2 =	vadd.f32 v2, v3;
	v3 =	vadd.f32 v63, v62;
	(pc) =	sbr.rel @p0 .LBB2_5-.Ltmp5, $3  }
0x158: {  	_ = 	snop  }
0x159: {  	v2 =	vadd.f32 v3, v2;
	_ =	sdelay $0x1  }
0x15a: {  	[tilespmem:s31+$0x0] =	vst.add.f32.msk $0xffff, v2  }
0x15b: {  	v2 =	vld [tilespmem:s28+$0x1F000]  }
0x15c: {  	v3 =	vld [tilespmem:s28+$0x1F010]  }
0x15d: {  	v4 =	vld [tilespmem:s28+$0x1F020]  }
0x15e: {  	v5 =	vld [tilespmem:s28+$0x1F030]  }
0x15f: {  	v6 =	vld [tilespmem:s28+$0x1F040]  }
0x160: {  	v7 =	vld [tilespmem:s28+$0x1F050];
	v2 =	vmul.f32 $8.333333580e-02, v2  }
0x161: {  	v8 =	vld [tilespmem:s28+$0x1F060];
	v3 =	vmul.f32 $8.333333580e-02, v3  }
0x162: {  	v63 =	vld [tilespmem:s28+$0x1F070];
	[tilespmem:s28+$0x1F000] =	vst v2;
	v2 =	vmul.f32 $8.333333580e-02, v4  }
0x163: {  	[tilespmem:s28+$0x1F010] =	vst v3;
	v3 =	vmul.f32 $8.333333580e-02, v5  }
0x164: {  	p0 =	sne.s32 s0, $0x10;
	[tilespmem:s28+$0x1F020] =	vst v2;
	v2 =	vmul.f32 $8.333333580e-02, v6  }
.Ltmp6:
0x165: {  	[tilespmem:s28+$0x1F030] =	vst v3;
	v3 =	vmul.f32 $8.333333580e-02, v7;
	(pc) =	sbr.rel @p0 .LBB2_2-.Ltmp6, $4  }
0x166: {  	[tilespmem:s28+$0x1F040] =	vst v2;
	v2 =	vmul.f32 $8.333333580e-02, v8  }
0x167: {  	[tilespmem:s28+$0x1F050] =	vst v3;
	v3 =	vmul.f32 $8.333333580e-02, v63  }
0x168: {  	[tilespmem:s28+$0x1F060] =	vst v2  }
0x169: {  	[tilespmem:s28+$0x1F070] =	vst v3;
	s28 =	smov.u32 s0  }
0x16a: {  	s26 =	sadd.s32 $0x1, s26  }
0x16b: {  	p0 =	sne.s32 s26, s9  }
.Ltmp7:
0x16c: {  	s0 =	simm.s32 $0x1F000;
	(pc) =	sbr.rel @p0 .LBB2_1-.Ltmp7, $4  }
0x16d: {  	[hbm4b:s8+s3] =	stream.linear.scatter [tilespmem:s0], [sflag:$0x6], $0x800, $0x38;
	[tilespmem:$0x1F800] =	vst v63  }
0x16e: {  	_ =	swait.ge [sflag:s10], $0x800  }
0x16f: {  	[sflag:s10] =	ssyncset.done $0x0  }
0x170: {  	[sflag:s10] =	ssyncadd.s32 $0xFFFFF800  }
0x171: {  	_ =	sfence.sel $0x180000  }
0x172: {  	[bflag:$0x0] =	sbarrier.arrive $0xFFFF  }
0x173: {  	_ =	strace $0x90000047  }
0x174: {  	s0 =	stileid.u32;
	[bflag:$0x2] =	sbarrier.arrive $0xFFFF  }
0x175: {  	p0 =	sne.s32 s0, $0x0;
	s0 =	rddreg [dreg:$0x3]  }
0x176: {  	s0 =	sadd.s32 @!p0 $0x100000, s0  }
0x177: {  	[sflag:s0] =	ssyncadd.tile.s32 @!p0 $0x1;
	_ =	shalt  }
.Lfunc_end2:
_tile_overlayer_lowered:
.L_overlay_start_2:
0x178: {  	(tag) =	ssettag $0x2  }
0x179: {  	s0 =	rddreg [dreg:$0x0];
	s2 =	stileid.u32  }
0x17a: {  	s1 =	rddreg [dreg:$0x1];
	p0 =	sne.s32 s2, $0x0  }
0x17b: {  	s3 =	rddreg [dreg:$0x2];
	[bflag:$0x3] =	sbarrier.arrive $0xFFFF;
	s2 =	simm.s32 @!p0 $0x1C06  }
0x17c: {  	[timem:s3], [sflag:s2] =	dma.local @!p0 [hbm:s0], s1  }
0x17d: {  	s0 =	simm.s32 @!p0 $0x6  }
0x17e: {  	_ =	swait.ge @!p0 [sflag:s0], s1  }
0x17f: {  	s1 =	ssub.s32 @!p0 $0x0, s1;
	[sflag:s0] =	ssyncset.done @!p0 $0x0  }
0x180: {  	[sflag:s0] =	ssyncadd.s32 @!p0 s1  }
0x181: {  	[bflag:$0x3] =	sbarrier.arrive $0xFFFF  }
0x182: {  	_ =	shalt  }

</sc_bundles>
